<compile_context>
chip_gen: v7x
topology: tpu7x:2x2x1
jax: 0.10.2.dev20260603
libtpu: 0.0.44.dev20260713+nightly
codegen_flags: <defaults>
</compile_context>

<pallas_src>
import functools

import jax
import jax.numpy as jnp
from jax import lax
from jax.experimental import pallas as pl
from jax.experimental.pallas import tpu as pltpu
from jax.experimental.pallas import tpu_sc as plsc

B = 16
TOTAL = 32768
IN = 128
H = 128
DIST = 256
ROWS = 4096

_info = plsc.get_sparse_core_info()
_NC, _NS = _info.num_cores, _info.num_subcores
_NW = _NC * _NS
_RW = TOTAL // _NW

_sc_mesh = plsc.VectorSubcoreMesh(core_axis_name="c", subcore_axis_name="s")

_LANES = 16


@functools.partial(
    pl.kernel, mesh=_sc_mesh,
    out_type=jax.ShapeDtypeStruct((B * TOTAL,), jnp.float32),
    scratch_types=[
        pltpu.VMEM((B,), jnp.int32),
        pltpu.VMEM((B,), jnp.int32),
        pltpu.VMEM((B * _RW,), jnp.float32),
        pltpu.SemaphoreType.DMA,
    ],
)
def _sc_segment_onehot(starts_hbm, ends_hbm, oh_hbm, sv, ev, oh_v, sem):
    wid = lax.axis_index("s") * _NC + lax.axis_index("c")
    base = wid * _RW
    pltpu.sync_copy(starts_hbm, sv)
    pltpu.sync_copy(ends_hbm, ev)
    lane = lax.iota(jnp.int32, _LANES)
    one = jnp.full((_LANES,), 1.0, jnp.float32)
    zero = jnp.zeros((_LANES,), jnp.float32)
    s_vec = sv[...]
    e_vec = ev[...]
    copies = []
    for b in range(B):
        s_b = jnp.full((_LANES,), s_vec[b], jnp.int32)
        e_b = jnp.full((_LANES,), e_vec[b], jnp.int32)

        def body(i, carry, s_b=s_b, e_b=e_b, b=b):
            r_vec = jnp.full((_LANES,), base + i * _LANES, jnp.int32) + lane
            m = jnp.logical_and(s_b <= r_vec, r_vec < e_b)
            oh_v[pl.ds(b * _RW + i * _LANES, _LANES)] = jnp.where(m, one, zero)
            return carry

        lax.fori_loop(0, _RW // _LANES, body, 0)
        copies.append(pltpu.async_copy(oh_v.at[pl.ds(b * _RW, _RW)],
                                       oh_hbm.at[pl.ds(b * TOTAL + base, _RW)],
                                       sem))
    for c in copies:
        c.wait()


def _fused_step(oh_ref, traj_ref, nbr_ref, dist_ref, ht_ref,
                w1_ref, w2_ref, w3_ref, be_ref, wih_ref, whh_ref,
                bih_ref, bhh_ref, out_ref):
    oh_t = oh_ref[...]

    p = jnp.dot(traj_ref[...], w2_ref[...], preferred_element_type=jnp.float32)
    p = p + be_ref[...]

    bf = jnp.bfloat16
    emb = jnp.dot(nbr_ref[...].astype(bf), w1_ref[...], preferred_element_type=jnp.float32)
    emb = emb + jnp.dot(dist_ref[...].astype(bf), w3_ref[...], preferred_element_type=jnp.float32)
    emb = emb + lax.dot_general(oh_t, p, (((0,), (0,)), ((), ())),
                                preferred_element_type=jnp.float32)
    x = jnp.maximum(emb, 0.0)

    h = ht_ref[...]
    gi = jnp.dot(x.astype(bf), wih_ref[...], preferred_element_type=jnp.float32) + bih_ref[...]
    gh = jnp.dot(h.astype(bf), whh_ref[...], preferred_element_type=jnp.float32) + bhh_ref[...]
    r = jax.nn.sigmoid(gi[:, 0:H] + gh[:, 0:H])
    z = jax.nn.sigmoid(gi[:, H:2 * H] + gh[:, H:2 * H])
    n = jnp.tanh(gi[:, 2 * H:3 * H] + r * gh[:, 2 * H:3 * H])
    out_ref[...] = (1.0 - z) * n + z * h


def kernel(traj_input, neighbor_t, dist, neighbors_idx_start, neighbors_idx_end,
           ht, W_emb, b_emb, w_ih, w_hh, b_ih, b_hh):
    onehot_t = _sc_segment_onehot(
        neighbors_idx_start.astype(jnp.int32),
        neighbors_idx_end.astype(jnp.int32),
    ).reshape(B, TOTAL)

    w1 = W_emb[:, :IN].T.astype(jnp.bfloat16)
    w2 = W_emb[:, IN:IN + H].T
    w3 = W_emb[:, IN + H:].T.astype(jnp.bfloat16)
    be = b_emb.reshape(1, H)
    wih = w_ih.T.astype(jnp.bfloat16)
    whh = w_hh.T.astype(jnp.bfloat16)
    bih = b_ih.reshape(1, 3 * H)
    bhh = b_hh.reshape(1, 3 * H)

    grid = TOTAL // ROWS
    rep = lambda i: (0, 0)
    out = pl.pallas_call(
        _fused_step,
        grid=(grid,),
        in_specs=[
            pl.BlockSpec((B, ROWS), lambda i: (0, i)),
            pl.BlockSpec((B, H), rep),
            pl.BlockSpec((ROWS, IN), lambda i: (i, 0)),
            pl.BlockSpec((ROWS, DIST), lambda i: (i, 0)),
            pl.BlockSpec((ROWS, H), lambda i: (i, 0)),
            pl.BlockSpec((IN, H), rep),
            pl.BlockSpec((H, H), rep),
            pl.BlockSpec((DIST, H), rep),
            pl.BlockSpec((1, H), rep),
            pl.BlockSpec((H, 3 * H), rep),
            pl.BlockSpec((H, 3 * H), rep),
            pl.BlockSpec((1, 3 * H), rep),
            pl.BlockSpec((1, 3 * H), rep),
        ],
        out_specs=pl.BlockSpec((ROWS, H), lambda i: (i, 0)),
        out_shape=jax.ShapeDtypeStruct((TOTAL, H), jnp.float32),
        compiler_params=pltpu.CompilerParams(
            dimension_semantics=("parallel",)),
    )(onehot_t, traj_input, neighbor_t, dist, ht, w1, w2, w3, be, wih, whh, bih, bhh)
    return out

# --- scband reference (transcript-rebuilt; emitter-appended) ---
"""Pipeline reference for scband-neighbor-cell-88562225644176 (READ-ONLY COPY).

The authoritative reference and input builder live on the scoring server;
editing this copy changes nothing except your own understanding.
"""

import jax, jax.numpy as jnp
import numpy as np

B = 16
TOTAL = 32768
IN = 128
H = 128
DIST = 256
EMB_IN = IN + H + DIST


def gru_cell(x, h, w_ih, w_hh, b_ih, b_hh):
    gi = x @ w_ih.T + b_ih
    gh = h @ w_hh.T + b_hh
    i_r, i_z, i_n = jnp.split(gi, 3, axis=1)
    h_r, h_z, h_n = jnp.split(gh, 3, axis=1)
    r = jax.nn.sigmoid(i_r + h_r)
    z = jax.nn.sigmoid(i_z + h_z)
    n = jnp.tanh(i_n + r * h_n)
    return (1.0 - z) * n + z * h


def setup_inputs(seed: int = 0) -> dict:
    key = jax.random.key(seed)
    ks = jax.random.split(key, 12)
    traj_input = jax.random.normal(ks[0], (B, H), dtype=jnp.float32)
    neighbor_t = jax.random.normal(ks[1], (TOTAL, IN), dtype=jnp.float32)
    dist = jax.random.normal(ks[2], (TOTAL, DIST), dtype=jnp.float32)
    ht = jax.random.normal(ks[3], (TOTAL, H), dtype=jnp.float32)
    bounds = jnp.sort(jax.random.randint(ks[4], (B + 1,), 0, TOTAL, dtype=jnp.int32))
    bounds = bounds.at[0].set(0).at[-1].set(TOTAL)
    neighbors_idx_start = bounds[:-1]
    neighbors_idx_end = bounds[1:]
    W_emb = jax.random.normal(ks[5], (H, EMB_IN), dtype=jnp.float32) * (1.0 / np.sqrt(EMB_IN))
    b_emb = jax.random.normal(ks[6], (H,), dtype=jnp.float32) * 0.01
    w_ih = jax.random.normal(ks[7], (3 * H, H), dtype=jnp.float32) * (1.0 / np.sqrt(H))
    w_hh = jax.random.normal(ks[8], (3 * H, H), dtype=jnp.float32) * (1.0 / np.sqrt(H))
    b_ih = jax.random.normal(ks[9], (3 * H,), dtype=jnp.float32) * 0.01
    b_hh = jax.random.normal(ks[10], (3 * H,), dtype=jnp.float32) * 0.01
    return {"traj_input": traj_input, "neighbor_t": neighbor_t, "dist": dist,
            "neighbors_idx_start": neighbors_idx_start, "neighbors_idx_end": neighbors_idx_end,
            "ht": ht, "W_emb": W_emb, "b_emb": b_emb,
            "w_ih": w_ih, "w_hh": w_hh, "b_ih": b_ih, "b_hh": b_hh}


def reference(traj_input, neighbor_t, dist, neighbors_idx_start, neighbors_idx_end, ht,
              W_emb, b_emb, w_ih, w_hh, b_ih, b_hh):
    total = neighbor_t.shape[0]
    rows = jnp.arange(total, dtype=neighbors_idx_start.dtype)
    seg_s = jnp.searchsorted(neighbors_idx_start, rows, side='right') - 1
    seg_e = jnp.searchsorted(neighbors_idx_end, rows, side='right')
    seg = jnp.maximum(seg_s, seg_e)
    tt = traj_input[seg]
    rnn_in = jnp.concatenate([neighbor_t, tt, dist], axis=-1)
    rnn_in = jax.nn.relu(rnn_in @ W_emb.T + b_emb)
    return gru_cell(rnn_in, ht, w_ih, w_hh, b_ih, b_hh)

if __name__ == "__main__":
    import jax
    _d = setup_inputs()
    print(jax.jit(kernel)(*tuple(_d.values())))

</pallas_src>

<mosaic_0001>
#map = affine_map<(d0, d1) -> (0)>
module attributes {stable_mosaic.version = 14 : i64} {
  func.func @_sc_segment_onehot(%arg0: i32, %arg1: i32, %arg2: memref<16xi32, #tpu.memory_space<hbm>>, %arg3: memref<16xi32, #tpu.memory_space<hbm>>, %arg4: memref<524288xf32, #tpu.memory_space<hbm>>, %arg5: memref<16xi32, #tpu.memory_space<vmem>>, %arg6: memref<16xi32, #tpu.memory_space<vmem>>, %arg7: memref<16384xf32, #tpu.memory_space<vmem>>, %arg8: memref<!tpu.dma_semaphore, #tpu.memory_space<semaphore_mem>>) attributes {dimension_semantics = [#tpu.dimension_semantics<core_parallel>, #tpu.dimension_semantics<subcore_parallel>], iteration_bounds = array<i64: 2, 16>, scalar_prefetch = 0 : i64, scratch_operands = 4 : i64, tpu.core_type = #tpu.core_type<sc_vector_subcore>, window_params = [{transform_indices = #map}, {transform_indices = #map}, {transform_indices = #map}]} {
    %mul3A = arith.constant 2 : i32
    %mul3A_0 = arith.muli %arg1, %mul3A : i32
    %add3A = arith.addi %mul3A_0, %arg0 : i32
    %mul3A_1 = arith.constant 1024 : i32
    %mul3A_2 = arith.muli %add3A, %mul3A_1 : i32
    "tpu.region"() ({
      %run_scoped3A = tpu.sem_alloc : memref<!tpu.dma_semaphore, #tpu.memory_space<semaphore_mem>>
      tpu.enqueue_dma source(%arg2 : memref<16xi32, #tpu.memory_space<hbm>>) target(%arg5 : memref<16xi32, #tpu.memory_space<vmem>>) target_semaphore(%run_scoped3A : memref<!tpu.dma_semaphore, #tpu.memory_space<semaphore_mem>>)
      tpu.wait_dma2 semaphore(%run_scoped3A : memref<!tpu.dma_semaphore, #tpu.memory_space<semaphore_mem>>) src(%arg2 : memref<16xi32, #tpu.memory_space<hbm>>) dst(%arg5 : memref<16xi32, #tpu.memory_space<vmem>>)
      tpu.yield
    }) : () -> ()
    "tpu.region"() ({
      %run_scoped3A = tpu.sem_alloc : memref<!tpu.dma_semaphore, #tpu.memory_space<semaphore_mem>>
      tpu.enqueue_dma source(%arg3 : memref<16xi32, #tpu.memory_space<hbm>>) target(%arg6 : memref<16xi32, #tpu.memory_space<vmem>>) target_semaphore(%run_scoped3A : memref<!tpu.dma_semaphore, #tpu.memory_space<semaphore_mem>>)
      tpu.wait_dma2 semaphore(%run_scoped3A : memref<!tpu.dma_semaphore, #tpu.memory_space<semaphore_mem>>) src(%arg3 : memref<16xi32, #tpu.memory_space<hbm>>) dst(%arg6 : memref<16xi32, #tpu.memory_space<vmem>>)
      tpu.yield
    }) : () -> ()
    %iota3A = tpu.iota {dimensions = array<i32: 0>} : vector<16xi32>
    %broadcast_in_dim3A = arith.constant 1.000000e+00 : f32
    %broadcast_in_dim3A_3 = vector.broadcast %broadcast_in_dim3A : f32 to vector<16xf32>
    %broadcast_in_dim3A_4 = arith.constant 0.000000e+00 : f32
    %broadcast_in_dim3A_5 = vector.broadcast %broadcast_in_dim3A_4 : f32 to vector<16xf32>
    %get3A = arith.constant 0 : index
    %get3A_6 = tpu.vector_load %arg5[%get3A] {strides = array<i32>} : memref<16xi32, #tpu.memory_space<vmem>>, vector<16xi32>,
    %get3A_7 = vector.shape_cast %get3A_6 : vector<16xi32> to vector<16xi32>
    %get3A_8 = arith.constant 0 : index
    %get3A_9 = tpu.vector_load %arg6[%get3A_8] {strides = array<i32>} : memref<16xi32, #tpu.memory_space<vmem>>, vector<16xi32>,
    %get3A_10 = vector.shape_cast %get3A_9 : vector<16xi32> to vector<16xi32>
    %slice3A = vector.extract_strided_slice %get3A_7 {offsets = [0], sizes = [1], strides = [1]} : vector<16xi32> to vector<1xi32>
    %squeeze3A = vector.extract %slice3A[0] : i32 from vector<1xi32>
    %broadcast_in_dim3A_11 = vector.broadcast %squeeze3A : i32 to vector<16xi32>
    %slice3A_12 = vector.extract_strided_slice %get3A_10 {offsets = [0], sizes = [1], strides = [1]} : vector<16xi32> to vector<1xi32>
    %squeeze3A_13 = vector.extract %slice3A_12[0] : i32 from vector<1xi32>
    %broadcast_in_dim3A_14 = vector.broadcast %squeeze3A_13 : i32 to vector<16xi32>
    %scan3A = arith.constant 0 : i32
    %scan3A_15 = arith.constant 0 : i32
    %scan3A_16 = arith.constant 64 : i32
    %scan3A_17 = arith.addi %scan3A_15, %scan3A_16 : i32
    %scan3A_18 = arith.constant 1 : i32
    scf.for %scan3A_422 = %scan3A_15 to %scan3A_17 step %scan3A_18  : i32 {
      %mul3A_423 = arith.constant 16 : i32
      %mul3A_424 = arith.muli %scan3A_422, %mul3A_423 : i32
      %add3A_425 = arith.addi %mul3A_2, %mul3A_424 : i32
      %broadcast_in_dim3A_426 = vector.broadcast %add3A_425 : i32 to vector<16xi32>
      %add3A_427 = arith.addi %broadcast_in_dim3A_426, %iota3A : vector<16xi32>
      %le3A = arith.cmpi sle, %broadcast_in_dim3A_11, %add3A_427 : vector<16xi32>
      %lt3A = arith.cmpi slt, %add3A_427, %broadcast_in_dim3A_14 : vector<16xi32>
      %and3A = arith.andi %le3A, %lt3A : vector<16xi1>
      %select_n3A = arith.select %and3A, %broadcast_in_dim3A_3, %broadcast_in_dim3A_5 : vector<16xi1>, vector<16xf32>
      %mul3A_428 = arith.constant 16 : i32
      %mul3A_429 = arith.muli %scan3A_422, %mul3A_428 : i32
      %add3A_430 = arith.constant 0 : i32
      %add3A_431 = arith.addi %add3A_430, %mul3A_429 : i32
      %swap3A = arith.index_cast %add3A_431 : i32 to index
      %swap3A_432 = tpu.vector_load %arg7[%swap3A] {strides = array<i32>} : memref<16384xf32, #tpu.memory_space<vmem>>, vector<16xf32>,
      %swap3A_433 = vector.shape_cast %swap3A_432 : vector<16xf32> to vector<16xf32>
      %swap3A_434 = vector.shape_cast %select_n3A : vector<16xf32> to vector<16xf32>
      tpu.vector_store %arg7[%swap3A], %swap3A_434 {strides = array<i32>} : memref<16384xf32, #tpu.memory_space<vmem>>, vector<16xf32>,
    }
    %scan3A_19 = arith.constant 64 : i32
    %add3A_20 = arith.constant 0 : i32
    %add3A_21 = arith.addi %add3A_20, %mul3A_2 : i32
    %dma_start3A = arith.constant 0 : i32
    %dma_start3A_22 = tpu.memref_slice %arg7[%dma_start3A] : memref<16384xf32, #tpu.memory_space<vmem>> -> memref<1024xf32, #tpu.memory_space<vmem>>
    %dma_start3A_23 = tpu.memref_slice %arg4[%add3A_21] : memref<524288xf32, #tpu.memory_space<hbm>> -> memref<1024xf32, #tpu.memory_space<hbm>>
    %dma_start3A_24 = tpu.memref_slice %arg4[%add3A_21] : memref<524288xf32, #tpu.memory_space<hbm>> -> memref<1024xf32, #tpu.memory_space<hbm>>
    %dma_start3A_25 = arith.constant 0 : i32
    %dma_start3A_26 = tpu.memref_slice %arg7[%dma_start3A_25] : memref<16384xf32, #tpu.memory_space<vmem>> -> memref<1024xf32, #tpu.memory_space<vmem>>
    tpu.enqueue_dma source(%dma_start3A_26 : memref<1024xf32, #tpu.memory_space<vmem>>) target(%dma_start3A_24 : memref<1024xf32, #tpu.memory_space<hbm>>) target_semaphore(%arg8 : memref<!tpu.dma_semaphore, #tpu.memory_space<semaphore_mem>>)
    %slice3A_27 = vector.extract_strided_slice %get3A_7 {offsets = [1], sizes = [1], strides = [1]} : vector<16xi32> to vector<1xi32>
    %squeeze3A_28 = vector.extract %slice3A_27[0] : i32 from vector<1xi32>
    %broadcast_in_dim3A_29 = vector.broadcast %squeeze3A_28 : i32 to vector<16xi32>
    %slice3A_30 = vector.extract_strided_slice %get3A_10 {offsets = [1], sizes = [1], strides = [1]} : vector<16xi32> to vector<1xi32>
    %squeeze3A_31 = vector.extract %slice3A_30[0] : i32 from vector<1xi32>
    %broadcast_in_dim3A_32 = vector.broadcast %squeeze3A_31 : i32 to vector<16xi32>
    %scan3A_33 = arith.constant 0 : i32
    %scan3A_34 = arith.constant 0 : i32
    %scan3A_35 = arith.constant 64 : i32
    %scan3A_36 = arith.addi %scan3A_34, %scan3A_35 : i32
    %scan3A_37 = arith.constant 1 : i32
    scf.for %scan3A_422 = %scan3A_34 to %scan3A_36 step %scan3A_37  : i32 {
      %mul3A_423 = arith.constant 16 : i32
      %mul3A_424 = arith.muli %scan3A_422, %mul3A_423 : i32
      %add3A_425 = arith.addi %mul3A_2, %mul3A_424 : i32
      %broadcast_in_dim3A_426 = vector.broadcast %add3A_425 : i32 to vector<16xi32>
      %add3A_427 = arith.addi %broadcast_in_dim3A_426, %iota3A : vector<16xi32>
      %le3A = arith.cmpi sle, %broadcast_in_dim3A_29, %add3A_427 : vector<16xi32>
      %lt3A = arith.cmpi slt, %add3A_427, %broadcast_in_dim3A_32 : vector<16xi32>
      %and3A = arith.andi %le3A, %lt3A : vector<16xi1>
      %select_n3A = arith.select %and3A, %broadcast_in_dim3A_3, %broadcast_in_dim3A_5 : vector<16xi1>, vector<16xf32>
      %mul3A_428 = arith.constant 16 : i32
      %mul3A_429 = arith.muli %scan3A_422, %mul3A_428 : i32
      %add3A_430 = arith.constant 1024 : i32
      %add3A_431 = arith.addi %add3A_430, %mul3A_429 : i32
      %swap3A = arith.index_cast %add3A_431 : i32 to index
      %swap3A_432 = tpu.vector_load %arg7[%swap3A] {strides = array<i32>} : memref<16384xf32, #tpu.memory_space<vmem>>, vector<16xf32>,
      %swap3A_433 = vector.shape_cast %swap3A_432 : vector<16xf32> to vector<16xf32>
      %swap3A_434 = vector.shape_cast %select_n3A : vector<16xf32> to vector<16xf32>
      tpu.vector_store %arg7[%swap3A], %swap3A_434 {strides = array<i32>} : memref<16384xf32, #tpu.memory_space<vmem>>, vector<16xf32>,
    }
    %scan3A_38 = arith.constant 64 : i32
    %add3A_39 = arith.constant 32768 : i32
    %add3A_40 = arith.addi %add3A_39, %mul3A_2 : i32
    %dma_start3A_41 = arith.constant 1024 : i32
    %dma_start3A_42 = tpu.memref_slice %arg7[%dma_start3A_41] : memref<16384xf32, #tpu.memory_space<vmem>> -> memref<1024xf32, #tpu.memory_space<vmem>>
    %dma_start3A_43 = tpu.memref_slice %arg4[%add3A_40] : memref<524288xf32, #tpu.memory_space<hbm>> -> memref<1024xf32, #tpu.memory_space<hbm>>
    %dma_start3A_44 = tpu.memref_slice %arg4[%add3A_40] : memref<524288xf32, #tpu.memory_space<hbm>> -> memref<1024xf32, #tpu.memory_space<hbm>>
    %dma_start3A_45 = arith.constant 1024 : i32
    %dma_start3A_46 = tpu.memref_slice %arg7[%dma_start3A_45] : memref<16384xf32, #tpu.memory_space<vmem>> -> memref<1024xf32, #tpu.memory_space<vmem>>
    tpu.enqueue_dma source(%dma_start3A_46 : memref<1024xf32, #tpu.memory_space<vmem>>) target(%dma_start3A_44 : memref<1024xf32, #tpu.memory_space<hbm>>) target_semaphore(%arg8 : memref<!tpu.dma_semaphore, #tpu.memory_space<semaphore_mem>>)
    %slice3A_47 = vector.extract_strided_slice %get3A_7 {offsets = [2], sizes = [1], strides = [1]} : vector<16xi32> to vector<1xi32>
    %squeeze3A_48 = vector.extract %slice3A_47[0] : i32 from vector<1xi32>
    %broadcast_in_dim3A_49 = vector.broadcast %squeeze3A_48 : i32 to vector<16xi32>
    %slice3A_50 = vector.extract_strided_slice %get3A_10 {offsets = [2], sizes = [1], strides = [1]} : vector<16xi32> to vector<1xi32>
    %squeeze3A_51 = vector.extract %slice3A_50[0] : i32 from vector<1xi32>
    %broadcast_in_dim3A_52 = vector.broadcast %squeeze3A_51 : i32 to vector<16xi32>
    %scan3A_53 = arith.constant 0 : i32
    %scan3A_54 = arith.constant 0 : i32
    %scan3A_55 = arith.constant 64 : i32
    %scan3A_56 = arith.addi %scan3A_54, %scan3A_55 : i32
    %scan3A_57 = arith.constant 1 : i32
    scf.for %scan3A_422 = %scan3A_54 to %scan3A_56 step %scan3A_57  : i32 {
      %mul3A_423 = arith.constant 16 : i32
      %mul3A_424 = arith.muli %scan3A_422, %mul3A_423 : i32
      %add3A_425 = arith.addi %mul3A_2, %mul3A_424 : i32
      %broadcast_in_dim3A_426 = vector.broadcast %add3A_425 : i32 to vector<16xi32>
      %add3A_427 = arith.addi %broadcast_in_dim3A_426, %iota3A : vector<16xi32>
      %le3A = arith.cmpi sle, %broadcast_in_dim3A_49, %add3A_427 : vector<16xi32>
      %lt3A = arith.cmpi slt, %add3A_427, %broadcast_in_dim3A_52 : vector<16xi32>
      %and3A = arith.andi %le3A, %lt3A : vector<16xi1>
      %select_n3A = arith.select %and3A, %broadcast_in_dim3A_3, %broadcast_in_dim3A_5 : vector<16xi1>, vector<16xf32>
      %mul3A_428 = arith.constant 16 : i32
      %mul3A_429 = arith.muli %scan3A_422, %mul3A_428 : i32
      %add3A_430 = arith.constant 2048 : i32
      %add3A_431 = arith.addi %add3A_430, %mul3A_429 : i32
      %swap3A = arith.index_cast %add3A_431 : i32 to index
      %swap3A_432 = tpu.vector_load %arg7[%swap3A] {strides = array<i32>} : memref<16384xf32, #tpu.memory_space<vmem>>, vector<16xf32>,
      %swap3A_433 = vector.shape_cast %swap3A_432 : vector<16xf32> to vector<16xf32>
      %swap3A_434 = vector.shape_cast %select_n3A : vector<16xf32> to vector<16xf32>
      tpu.vector_store %arg7[%swap3A], %swap3A_434 {strides = array<i32>} : memref<16384xf32, #tpu.memory_space<vmem>>, vector<16xf32>,
    }
    %scan3A_58 = arith.constant 64 : i32
    %add3A_59 = arith.constant 65536 : i32
    %add3A_60 = arith.addi %add3A_59, %mul3A_2 : i32
    %dma_start3A_61 = arith.constant 2048 : i32
    %dma_start3A_62 = tpu.memref_slice %arg7[%dma_start3A_61] : memref<16384xf32, #tpu.memory_space<vmem>> -> memref<1024xf32, #tpu.memory_space<vmem>>
    %dma_start3A_63 = tpu.memref_slice %arg4[%add3A_60] : memref<524288xf32, #tpu.memory_space<hbm>> -> memref<1024xf32, #tpu.memory_space<hbm>>
    %dma_start3A_64 = tpu.memref_slice %arg4[%add3A_60] : memref<524288xf32, #tpu.memory_space<hbm>> -> memref<1024xf32, #tpu.memory_space<hbm>>
    %dma_start3A_65 = arith.constant 2048 : i32
    %dma_start3A_66 = tpu.memref_slice %arg7[%dma_start3A_65] : memref<16384xf32, #tpu.memory_space<vmem>> -> memref<1024xf32, #tpu.memory_space<vmem>>
    tpu.enqueue_dma source(%dma_start3A_66 : memref<1024xf32, #tpu.memory_space<vmem>>) target(%dma_start3A_64 : memref<1024xf32, #tpu.memory_space<hbm>>) target_semaphore(%arg8 : memref<!tpu.dma_semaphore, #tpu.memory_space<semaphore_mem>>)
    %slice3A_67 = vector.extract_strided_slice %get3A_7 {offsets = [3], sizes = [1], strides = [1]} : vector<16xi32> to vector<1xi32>
    %squeeze3A_68 = vector.extract %slice3A_67[0] : i32 from vector<1xi32>
    %broadcast_in_dim3A_69 = vector.broadcast %squeeze3A_68 : i32 to vector<16xi32>
    %slice3A_70 = vector.extract_strided_slice %get3A_10 {offsets = [3], sizes = [1], strides = [1]} : vector<16xi32> to vector<1xi32>
    %squeeze3A_71 = vector.extract %slice3A_70[0] : i32 from vector<1xi32>
    %broadcast_in_dim3A_72 = vector.broadcast %squeeze3A_71 : i32 to vector<16xi32>
    %scan3A_73 = arith.constant 0 : i32
    %scan3A_74 = arith.constant 0 : i32
    %scan3A_75 = arith.constant 64 : i32
    %scan3A_76 = arith.addi %scan3A_74, %scan3A_75 : i32
    %scan3A_77 = arith.constant 1 : i32
    scf.for %scan3A_422 = %scan3A_74 to %scan3A_76 step %scan3A_77  : i32 {
      %mul3A_423 = arith.constant 16 : i32
      %mul3A_424 = arith.muli %scan3A_422, %mul3A_423 : i32
      %add3A_425 = arith.addi %mul3A_2, %mul3A_424 : i32
      %broadcast_in_dim3A_426 = vector.broadcast %add3A_425 : i32 to vector<16xi32>
      %add3A_427 = arith.addi %broadcast_in_dim3A_426, %iota3A : vector<16xi32>
      %le3A = arith.cmpi sle, %broadcast_in_dim3A_69, %add3A_427 : vector<16xi32>
      %lt3A = arith.cmpi slt, %add3A_427, %broadcast_in_dim3A_72 : vector<16xi32>
      %and3A = arith.andi %le3A, %lt3A : vector<16xi1>
      %select_n3A = arith.select %and3A, %broadcast_in_dim3A_3, %broadcast_in_dim3A_5 : vector<16xi1>, vector<16xf32>
      %mul3A_428 = arith.constant 16 : i32
      %mul3A_429 = arith.muli %scan3A_422, %mul3A_428 : i32
      %add3A_430 = arith.constant 3072 : i32
      %add3A_431 = arith.addi %add3A_430, %mul3A_429 : i32
      %swap3A = arith.index_cast %add3A_431 : i32 to index
      %swap3A_432 = tpu.vector_load %arg7[%swap3A] {strides = array<i32>} : memref<16384xf32, #tpu.memory_space<vmem>>, vector<16xf32>,
      %swap3A_433 = vector.shape_cast %swap3A_432 : vector<16xf32> to vector<16xf32>
      %swap3A_434 = vector.shape_cast %select_n3A : vector<16xf32> to vector<16xf32>
      tpu.vector_store %arg7[%swap3A], %swap3A_434 {strides = array<i32>} : memref<16384xf32, #tpu.memory_space<vmem>>, vector<16xf32>,
    }
    %scan3A_78 = arith.constant 64 : i32
    %add3A_79 = arith.constant 98304 : i32
    %add3A_80 = arith.addi %add3A_79, %mul3A_2 : i32
    %dma_start3A_81 = arith.constant 3072 : i32
    %dma_start3A_82 = tpu.memref_slice %arg7[%dma_start3A_81] : memref<16384xf32, #tpu.memory_space<vmem>> -> memref<1024xf32, #tpu.memory_space<vmem>>
    %dma_start3A_83 = tpu.memref_slice %arg4[%add3A_80] : memref<524288xf32, #tpu.memory_space<hbm>> -> memref<1024xf32, #tpu.memory_space<hbm>>
    %dma_start3A_84 = tpu.memref_slice %arg4[%add3A_80] : memref<524288xf32, #tpu.memory_space<hbm>> -> memref<1024xf32, #tpu.memory_space<hbm>>
    %dma_start3A_85 = arith.constant 3072 : i32
    %dma_start3A_86 = tpu.memref_slice %arg7[%dma_start3A_85] : memref<16384xf32, #tpu.memory_space<vmem>> -> memref<1024xf32, #tpu.memory_space<vmem>>
    tpu.enqueue_dma source(%dma_start3A_86 : memref<1024xf32, #tpu.memory_space<vmem>>) target(%dma_start3A_84 : memref<1024xf32, #tpu.memory_space<hbm>>) target_semaphore(%arg8 : memref<!tpu.dma_semaphore, #tpu.memory_space<semaphore_mem>>)
    %slice3A_87 = vector.extract_strided_slice %get3A_7 {offsets = [4], sizes = [1], strides = [1]} : vector<16xi32> to vector<1xi32>
    %squeeze3A_88 = vector.extract %slice3A_87[0] : i32 from vector<1xi32>
    %broadcast_in_dim3A_89 = vector.broadcast %squeeze3A_88 : i32 to vector<16xi32>
    %slice3A_90 = vector.extract_strided_slice %get3A_10 {offsets = [4], sizes = [1], strides = [1]} : vector<16xi32> to vector<1xi32>
    %squeeze3A_91 = vector.extract %slice3A_90[0] : i32 from vector<1xi32>
    %broadcast_in_dim3A_92 = vector.broadcast %squeeze3A_91 : i32 to vector<16xi32>
    %scan3A_93 = arith.constant 0 : i32
    %scan3A_94 = arith.constant 0 : i32
    %scan3A_95 = arith.constant 64 : i32
    %scan3A_96 = arith.addi %scan3A_94, %scan3A_95 : i32
    %scan3A_97 = arith.constant 1 : i32
    scf.for %scan3A_422 = %scan3A_94 to %scan3A_96 step %scan3A_97  : i32 {
      %mul3A_423 = arith.constant 16 : i32
      %mul3A_424 = arith.muli %scan3A_422, %mul3A_423 : i32
      %add3A_425 = arith.addi %mul3A_2, %mul3A_424 : i32
      %broadcast_in_dim3A_426 = vector.broadcast %add3A_425 : i32 to vector<16xi32>
      %add3A_427 = arith.addi %broadcast_in_dim3A_426, %iota3A : vector<16xi32>
      %le3A = arith.cmpi sle, %broadcast_in_dim3A_89, %add3A_427 : vector<16xi32>
      %lt3A = arith.cmpi slt, %add3A_427, %broadcast_in_dim3A_92 : vector<16xi32>
      %and3A = arith.andi %le3A, %lt3A : vector<16xi1>
      %select_n3A = arith.select %and3A, %broadcast_in_dim3A_3, %broadcast_in_dim3A_5 : vector<16xi1>, vector<16xf32>
      %mul3A_428 = arith.constant 16 : i32
      %mul3A_429 = arith.muli %scan3A_422, %mul3A_428 : i32
      %add3A_430 = arith.constant 4096 : i32
      %add3A_431 = arith.addi %add3A_430, %mul3A_429 : i32
      %swap3A = arith.index_cast %add3A_431 : i32 to index
      %swap3A_432 = tpu.vector_load %arg7[%swap3A] {strides = array<i32>} : memref<16384xf32, #tpu.memory_space<vmem>>, vector<16xf32>,
      %swap3A_433 = vector.shape_cast %swap3A_432 : vector<16xf32> to vector<16xf32>
      %swap3A_434 = vector.shape_cast %select_n3A : vector<16xf32> to vector<16xf32>
      tpu.vector_store %arg7[%swap3A], %swap3A_434 {strides = array<i32>} : memref<16384xf32, #tpu.memory_space<vmem>>, vector<16xf32>,
    }
    %scan3A_98 = arith.constant 64 : i32
    %add3A_99 = arith.constant 131072 : i32
    %add3A_100 = arith.addi %add3A_99, %mul3A_2 : i32
    %dma_start3A_101 = arith.constant 4096 : i32
    %dma_start3A_102 = tpu.memref_slice %arg7[%dma_start3A_101] : memref<16384xf32, #tpu.memory_space<vmem>> -> memref<1024xf32, #tpu.memory_space<vmem>>
    %dma_start3A_103 = tpu.memref_slice %arg4[%add3A_100] : memref<524288xf32, #tpu.memory_space<hbm>> -> memref<1024xf32, #tpu.memory_space<hbm>>
    %dma_start3A_104 = tpu.memref_slice %arg4[%add3A_100] : memref<524288xf32, #tpu.memory_space<hbm>> -> memref<1024xf32, #tpu.memory_space<hbm>>
    %dma_start3A_105 = arith.constant 4096 : i32
    %dma_start3A_106 = tpu.memref_slice %arg7[%dma_start3A_105] : memref<16384xf32, #tpu.memory_space<vmem>> -> memref<1024xf32, #tpu.memory_space<vmem>>
    tpu.enqueue_dma source(%dma_start3A_106 : memref<1024xf32, #tpu.memory_space<vmem>>) target(%dma_start3A_104 : memref<1024xf32, #tpu.memory_space<hbm>>) target_semaphore(%arg8 : memref<!tpu.dma_semaphore, #tpu.memory_space<semaphore_mem>>)
    %slice3A_107 = vector.extract_strided_slice %get3A_7 {offsets = [5], sizes = [1], strides = [1]} : vector<16xi32> to vector<1xi32>
    %squeeze3A_108 = vector.extract %slice3A_107[0] : i32 from vector<1xi32>
    %broadcast_in_dim3A_109 = vector.broadcast %squeeze3A_108 : i32 to vector<16xi32>
    %slice3A_110 = vector.extract_strided_slice %get3A_10 {offsets = [5], sizes = [1], strides = [1]} : vector<16xi32> to vector<1xi32>
    %squeeze3A_111 = vector.extract %slice3A_110[0] : i32 from vector<1xi32>
    %broadcast_in_dim3A_112 = vector.broadcast %squeeze3A_111 : i32 to vector<16xi32>
    %scan3A_113 = arith.constant 0 : i32
    %scan3A_114 = arith.constant 0 : i32
    %scan3A_115 = arith.constant 64 : i32
    %scan3A_116 = arith.addi %scan3A_114, %scan3A_115 : i32
    %scan3A_117 = arith.constant 1 : i32
    scf.for %scan3A_422 = %scan3A_114 to %scan3A_116 step %scan3A_117  : i32 {
      %mul3A_423 = arith.constant 16 : i32
      %mul3A_424 = arith.muli %scan3A_422, %mul3A_423 : i32
      %add3A_425 = arith.addi %mul3A_2, %mul3A_424 : i32
      %broadcast_in_dim3A_426 = vector.broadcast %add3A_425 : i32 to vector<16xi32>
      %add3A_427 = arith.addi %broadcast_in_dim3A_426, %iota3A : vector<16xi32>
      %le3A = arith.cmpi sle, %broadcast_in_dim3A_109, %add3A_427 : vector<16xi32>
      %lt3A = arith.cmpi slt, %add3A_427, %broadcast_in_dim3A_112 : vector<16xi32>
      %and3A = arith.andi %le3A, %lt3A : vector<16xi1>
      %select_n3A = arith.select %and3A, %broadcast_in_dim3A_3, %broadcast_in_dim3A_5 : vector<16xi1>, vector<16xf32>
      %mul3A_428 = arith.constant 16 : i32
      %mul3A_429 = arith.muli %scan3A_422, %mul3A_428 : i32
      %add3A_430 = arith.constant 5120 : i32
      %add3A_431 = arith.addi %add3A_430, %mul3A_429 : i32
      %swap3A = arith.index_cast %add3A_431 : i32 to index
      %swap3A_432 = tpu.vector_load %arg7[%swap3A] {strides = array<i32>} : memref<16384xf32, #tpu.memory_space<vmem>>, vector<16xf32>,
      %swap3A_433 = vector.shape_cast %swap3A_432 : vector<16xf32> to vector<16xf32>
      %swap3A_434 = vector.shape_cast %select_n3A : vector<16xf32> to vector<16xf32>
      tpu.vector_store %arg7[%swap3A], %swap3A_434 {strides = array<i32>} : memref<16384xf32, #tpu.memory_space<vmem>>, vector<16xf32>,
    }
    %scan3A_118 = arith.constant 64 : i32
    %add3A_119 = arith.constant 163840 : i32
    %add3A_120 = arith.addi %add3A_119, %mul3A_2 : i32
    %dma_start3A_121 = arith.constant 5120 : i32
    %dma_start3A_122 = tpu.memref_slice %arg7[%dma_start3A_121] : memref<16384xf32, #tpu.memory_space<vmem>> -> memref<1024xf32, #tpu.memory_space<vmem>>
    %dma_start3A_123 = tpu.memref_slice %arg4[%add3A_120] : memref<524288xf32, #tpu.memory_space<hbm>> -> memref<1024xf32, #tpu.memory_space<hbm>>
    %dma_start3A_124 = tpu.memref_slice %arg4[%add3A_120] : memref<524288xf32, #tpu.memory_space<hbm>> -> memref<1024xf32, #tpu.memory_space<hbm>>
    %dma_start3A_125 = arith.constant 5120 : i32
    %dma_start3A_126 = tpu.memref_slice %arg7[%dma_start3A_125] : memref<16384xf32, #tpu.memory_space<vmem>> -> memref<1024xf32, #tpu.memory_space<vmem>>
    tpu.enqueue_dma source(%dma_start3A_126 : memref<1024xf32, #tpu.memory_space<vmem>>) target(%dma_start3A_124 : memref<1024xf32, #tpu.memory_space<hbm>>) target_semaphore(%arg8 : memref<!tpu.dma_semaphore, #tpu.memory_space<semaphore_mem>>)
    %slice3A_127 = vector.extract_strided_slice %get3A_7 {offsets = [6], sizes = [1], strides = [1]} : vector<16xi32> to vector<1xi32>
    %squeeze3A_128 = vector.extract %slice3A_127[0] : i32 from vector<1xi32>
    %broadcast_in_dim3A_129 = vector.broadcast %squeeze3A_128 : i32 to vector<16xi32>
    %slice3A_130 = vector.extract_strided_slice %get3A_10 {offsets = [6], sizes = [1], strides = [1]} : vector<16xi32> to vector<1xi32>
    %squeeze3A_131 = vector.extract %slice3A_130[0] : i32 from vector<1xi32>
    %broadcast_in_dim3A_132 = vector.broadcast %squeeze3A_131 : i32 to vector<16xi32>
    %scan3A_133 = arith.constant 0 : i32
    %scan3A_134 = arith.constant 0 : i32
    %scan3A_135 = arith.constant 64 : i32
    %scan3A_136 = arith.addi %scan3A_134, %scan3A_135 : i32
    %scan3A_137 = arith.constant 1 : i32
    scf.for %scan3A_422 = %scan3A_134 to %scan3A_136 step %scan3A_137  : i32 {
      %mul3A_423 = arith.constant 16 : i32
      %mul3A_424 = arith.muli %scan3A_422, %mul3A_423 : i32
      %add3A_425 = arith.addi %mul3A_2, %mul3A_424 : i32
      %broadcast_in_dim3A_426 = vector.broadcast %add3A_425 : i32 to vector<16xi32>
      %add3A_427 = arith.addi %broadcast_in_dim3A_426, %iota3A : vector<16xi32>
      %le3A = arith.cmpi sle, %broadcast_in_dim3A_129, %add3A_427 : vector<16xi32>
      %lt3A = arith.cmpi slt, %add3A_427, %broadcast_in_dim3A_132 : vector<16xi32>
      %and3A = arith.andi %le3A, %lt3A : vector<16xi1>
      %select_n3A = arith.select %and3A, %broadcast_in_dim3A_3, %broadcast_in_dim3A_5 : vector<16xi1>, vector<16xf32>
      %mul3A_428 = arith.constant 16 : i32
      %mul3A_429 = arith.muli %scan3A_422, %mul3A_428 : i32
      %add3A_430 = arith.constant 6144 : i32
      %add3A_431 = arith.addi %add3A_430, %mul3A_429 : i32
      %swap3A = arith.index_cast %add3A_431 : i32 to index
      %swap3A_432 = tpu.vector_load %arg7[%swap3A] {strides = array<i32>} : memref<16384xf32, #tpu.memory_space<vmem>>, vector<16xf32>,
      %swap3A_433 = vector.shape_cast %swap3A_432 : vector<16xf32> to vector<16xf32>
      %swap3A_434 = vector.shape_cast %select_n3A : vector<16xf32> to vector<16xf32>
      tpu.vector_store %arg7[%swap3A], %swap3A_434 {strides = array<i32>} : memref<16384xf32, #tpu.memory_space<vmem>>, vector<16xf32>,
    }
    %scan3A_138 = arith.constant 64 : i32
    %add3A_139 = arith.constant 196608 : i32
    %add3A_140 = arith.addi %add3A_139, %mul3A_2 : i32
    %dma_start3A_141 = arith.constant 6144 : i32
    %dma_start3A_142 = tpu.memref_slice %arg7[%dma_start3A_141] : memref<16384xf32, #tpu.memory_space<vmem>> -> memref<1024xf32, #tpu.memory_space<vmem>>
    %dma_start3A_143 = tpu.memref_slice %arg4[%add3A_140] : memref<524288xf32, #tpu.memory_space<hbm>> -> memref<1024xf32, #tpu.memory_space<hbm>>
    %dma_start3A_144 = tpu.memref_slice %arg4[%add3A_140] : memref<524288xf32, #tpu.memory_space<hbm>> -> memref<1024xf32, #tpu.memory_space<hbm>>
    %dma_start3A_145 = arith.constant 6144 : i32
    %dma_start3A_146 = tpu.memref_slice %arg7[%dma_start3A_145] : memref<16384xf32, #tpu.memory_space<vmem>> -> memref<1024xf32, #tpu.memory_space<vmem>>
    tpu.enqueue_dma source(%dma_start3A_146 : memref<1024xf32, #tpu.memory_space<vmem>>) target(%dma_start3A_144 : memref<1024xf32, #tpu.memory_space<hbm>>) target_semaphore(%arg8 : memref<!tpu.dma_semaphore, #tpu.memory_space<semaphore_mem>>)
    %slice3A_147 = vector.extract_strided_slice %get3A_7 {offsets = [7], sizes = [1], strides = [1]} : vector<16xi32> to vector<1xi32>
    %squeeze3A_148 = vector.extract %slice3A_147[0] : i32 from vector<1xi32>
    %broadcast_in_dim3A_149 = vector.broadcast %squeeze3A_148 : i32 to vector<16xi32>
    %slice3A_150 = vector.extract_strided_slice %get3A_10 {offsets = [7], sizes = [1], strides = [1]} : vector<16xi32> to vector<1xi32>
    %squeeze3A_151 = vector.extract %slice3A_150[0] : i32 from vector<1xi32>
    %broadcast_in_dim3A_152 = vector.broadcast %squeeze3A_151 : i32 to vector<16xi32>
    %scan3A_153 = arith.constant 0 : i32
    %scan3A_154 = arith.constant 0 : i32
    %scan3A_155 = arith.constant 64 : i32
    %scan3A_156 = arith.addi %scan3A_154, %scan3A_155 : i32
    %scan3A_157 = arith.constant 1 : i32
    scf.for %scan3A_422 = %scan3A_154 to %scan3A_156 step %scan3A_157  : i32 {
      %mul3A_423 = arith.constant 16 : i32
      %mul3A_424 = arith.muli %scan3A_422, %mul3A_423 : i32
      %add3A_425 = arith.addi %mul3A_2, %mul3A_424 : i32
      %broadcast_in_dim3A_426 = vector.broadcast %add3A_425 : i32 to vector<16xi32>
      %add3A_427 = arith.addi %broadcast_in_dim3A_426, %iota3A : vector<16xi32>
      %le3A = arith.cmpi sle, %broadcast_in_dim3A_149, %add3A_427 : vector<16xi32>
      %lt3A = arith.cmpi slt, %add3A_427, %broadcast_in_dim3A_152 : vector<16xi32>
      %and3A = arith.andi %le3A, %lt3A : vector<16xi1>
      %select_n3A = arith.select %and3A, %broadcast_in_dim3A_3, %broadcast_in_dim3A_5 : vector<16xi1>, vector<16xf32>
      %mul3A_428 = arith.constant 16 : i32
      %mul3A_429 = arith.muli %scan3A_422, %mul3A_428 : i32
      %add3A_430 = arith.constant 7168 : i32
      %add3A_431 = arith.addi %add3A_430, %mul3A_429 : i32
      %swap3A = arith.index_cast %add3A_431 : i32 to index
      %swap3A_432 = tpu.vector_load %arg7[%swap3A] {strides = array<i32>} : memref<16384xf32, #tpu.memory_space<vmem>>, vector<16xf32>,
      %swap3A_433 = vector.shape_cast %swap3A_432 : vector<16xf32> to vector<16xf32>
      %swap3A_434 = vector.shape_cast %select_n3A : vector<16xf32> to vector<16xf32>
      tpu.vector_store %arg7[%swap3A], %swap3A_434 {strides = array<i32>} : memref<16384xf32, #tpu.memory_space<vmem>>, vector<16xf32>,
    }
    %scan3A_158 = arith.constant 64 : i32
    %add3A_159 = arith.constant 229376 : i32
    %add3A_160 = arith.addi %add3A_159, %mul3A_2 : i32
    %dma_start3A_161 = arith.constant 7168 : i32
    %dma_start3A_162 = tpu.memref_slice %arg7[%dma_start3A_161] : memref<16384xf32, #tpu.memory_space<vmem>> -> memref<1024xf32, #tpu.memory_space<vmem>>
    %dma_start3A_163 = tpu.memref_slice %arg4[%add3A_160] : memref<524288xf32, #tpu.memory_space<hbm>> -> memref<1024xf32, #tpu.memory_space<hbm>>
    %dma_start3A_164 = tpu.memref_slice %arg4[%add3A_160] : memref<524288xf32, #tpu.memory_space<hbm>> -> memref<1024xf32, #tpu.memory_space<hbm>>
    %dma_start3A_165 = arith.constant 7168 : i32
    %dma_start3A_166 = tpu.memref_slice %arg7[%dma_start3A_165] : memref<16384xf32, #tpu.memory_space<vmem>> -> memref<1024xf32, #tpu.memory_space<vmem>>
    tpu.enqueue_dma source(%dma_start3A_166 : memref<1024xf32, #tpu.memory_space<vmem>>) target(%dma_start3A_164 : memref<1024xf32, #tpu.memory_space<hbm>>) target_semaphore(%arg8 : memref<!tpu.dma_semaphore, #tpu.memory_space<semaphore_mem>>)
    %slice3A_167 = vector.extract_strided_slice %get3A_7 {offsets = [8], sizes = [1], strides = [1]} : vector<16xi32> to vector<1xi32>
    %squeeze3A_168 = vector.extract %slice3A_167[0] : i32 from vector<1xi32>
    %broadcast_in_dim3A_169 = vector.broadcast %squeeze3A_168 : i32 to vector<16xi32>
    %slice3A_170 = vector.extract_strided_slice %get3A_10 {offsets = [8], sizes = [1], strides = [1]} : vector<16xi32> to vector<1xi32>
    %squeeze3A_171 = vector.extract %slice3A_170[0] : i32 from vector<1xi32>
    %broadcast_in_dim3A_172 = vector.broadcast %squeeze3A_171 : i32 to vector<16xi32>
    %scan3A_173 = arith.constant 0 : i32
    %scan3A_174 = arith.constant 0 : i32
    %scan3A_175 = arith.constant 64 : i32
    %scan3A_176 = arith.addi %scan3A_174, %scan3A_175 : i32
    %scan3A_177 = arith.constant 1 : i32
    scf.for %scan3A_422 = %scan3A_174 to %scan3A_176 step %scan3A_177  : i32 {
      %mul3A_423 = arith.constant 16 : i32
      %mul3A_424 = arith.muli %scan3A_422, %mul3A_423 : i32
      %add3A_425 = arith.addi %mul3A_2, %mul3A_424 : i32
      %broadcast_in_dim3A_426 = vector.broadcast %add3A_425 : i32 to vector<16xi32>
      %add3A_427 = arith.addi %broadcast_in_dim3A_426, %iota3A : vector<16xi32>
      %le3A = arith.cmpi sle, %broadcast_in_dim3A_169, %add3A_427 : vector<16xi32>
      %lt3A = arith.cmpi slt, %add3A_427, %broadcast_in_dim3A_172 : vector<16xi32>
      %and3A = arith.andi %le3A, %lt3A : vector<16xi1>
      %select_n3A = arith.select %and3A, %broadcast_in_dim3A_3, %broadcast_in_dim3A_5 : vector<16xi1>, vector<16xf32>
      %mul3A_428 = arith.constant 16 : i32
      %mul3A_429 = arith.muli %scan3A_422, %mul3A_428 : i32
      %add3A_430 = arith.constant 8192 : i32
      %add3A_431 = arith.addi %add3A_430, %mul3A_429 : i32
      %swap3A = arith.index_cast %add3A_431 : i32 to index
      %swap3A_432 = tpu.vector_load %arg7[%swap3A] {strides = array<i32>} : memref<16384xf32, #tpu.memory_space<vmem>>, vector<16xf32>,
      %swap3A_433 = vector.shape_cast %swap3A_432 : vector<16xf32> to vector<16xf32>
      %swap3A_434 = vector.shape_cast %select_n3A : vector<16xf32> to vector<16xf32>
      tpu.vector_store %arg7[%swap3A], %swap3A_434 {strides = array<i32>} : memref<16384xf32, #tpu.memory_space<vmem>>, vector<16xf32>,
    }
    %scan3A_178 = arith.constant 64 : i32
    %add3A_179 = arith.constant 262144 : i32
    %add3A_180 = arith.addi %add3A_179, %mul3A_2 : i32
    %dma_start3A_181 = arith.constant 8192 : i32
    %dma_start3A_182 = tpu.memref_slice %arg7[%dma_start3A_181] : memref<16384xf32, #tpu.memory_space<vmem>> -> memref<1024xf32, #tpu.memory_space<vmem>>
    %dma_start3A_183 = tpu.memref_slice %arg4[%add3A_180] : memref<524288xf32, #tpu.memory_space<hbm>> -> memref<1024xf32, #tpu.memory_space<hbm>>
    %dma_start3A_184 = tpu.memref_slice %arg4[%add3A_180] : memref<524288xf32, #tpu.memory_space<hbm>> -> memref<1024xf32, #tpu.memory_space<hbm>>
    %dma_start3A_185 = arith.constant 8192 : i32
    %dma_start3A_186 = tpu.memref_slice %arg7[%dma_start3A_185] : memref<16384xf32, #tpu.memory_space<vmem>> -> memref<1024xf32, #tpu.memory_space<vmem>>
    tpu.enqueue_dma source(%dma_start3A_186 : memref<1024xf32, #tpu.memory_space<vmem>>) target(%dma_start3A_184 : memref<1024xf32, #tpu.memory_space<hbm>>) target_semaphore(%arg8 : memref<!tpu.dma_semaphore, #tpu.memory_space<semaphore_mem>>)
    %slice3A_187 = vector.extract_strided_slice %get3A_7 {offsets = [9], sizes = [1], strides = [1]} : vector<16xi32> to vector<1xi32>
    %squeeze3A_188 = vector.extract %slice3A_187[0] : i32 from vector<1xi32>
    %broadcast_in_dim3A_189 = vector.broadcast %squeeze3A_188 : i32 to vector<16xi32>
    %slice3A_190 = vector.extract_strided_slice %get3A_10 {offsets = [9], sizes = [1], strides = [1]} : vector<16xi32> to vector<1xi32>
    %squeeze3A_191 = vector.extract %slice3A_190[0] : i32 from vector<1xi32>
    %broadcast_in_dim3A_192 = vector.broadcast %squeeze3A_191 : i32 to vector<16xi32>
    %scan3A_193 = arith.constant 0 : i32
    %scan3A_194 = arith.constant 0 : i32
    %scan3A_195 = arith.constant 64 : i32
    %scan3A_196 = arith.addi %scan3A_194, %scan3A_195 : i32
    %scan3A_197 = arith.constant 1 : i32
    scf.for %scan3A_422 = %scan3A_194 to %scan3A_196 step %scan3A_197  : i32 {
      %mul3A_423 = arith.constant 16 : i32
      %mul3A_424 = arith.muli %scan3A_422, %mul3A_423 : i32
      %add3A_425 = arith.addi %mul3A_2, %mul3A_424 : i32
      %broadcast_in_dim3A_426 = vector.broadcast %add3A_425 : i32 to vector<16xi32>
      %add3A_427 = arith.addi %broadcast_in_dim3A_426, %iota3A : vector<16xi32>
      %le3A = arith.cmpi sle, %broadcast_in_dim3A_189, %add3A_427 : vector<16xi32>
      %lt3A = arith.cmpi slt, %add3A_427, %broadcast_in_dim3A_192 : vector<16xi32>
      %and3A = arith.andi %le3A, %lt3A : vector<16xi1>
      %select_n3A = arith.select %and3A, %broadcast_in_dim3A_3, %broadcast_in_dim3A_5 : vector<16xi1>, vector<16xf32>
      %mul3A_428 = arith.constant 16 : i32
      %mul3A_429 = arith.muli %scan3A_422, %mul3A_428 : i32
      %add3A_430 = arith.constant 9216 : i32
      %add3A_431 = arith.addi %add3A_430, %mul3A_429 : i32
      %swap3A = arith.index_cast %add3A_431 : i32 to index
      %swap3A_432 = tpu.vector_load %arg7[%swap3A] {strides = array<i32>} : memref<16384xf32, #tpu.memory_space<vmem>>, vector<16xf32>,
      %swap3A_433 = vector.shape_cast %swap3A_432 : vector<16xf32> to vector<16xf32>
      %swap3A_434 = vector.shape_cast %select_n3A : vector<16xf32> to vector<16xf32>
      tpu.vector_store %arg7[%swap3A], %swap3A_434 {strides = array<i32>} : memref<16384xf32, #tpu.memory_space<vmem>>, vector<16xf32>,
    }
    %scan3A_198 = arith.constant 64 : i32
    %add3A_199 = arith.constant 294912 : i32
    %add3A_200 = arith.addi %add3A_199, %mul3A_2 : i32
    %dma_start3A_201 = arith.constant 9216 : i32
    %dma_start3A_202 = tpu.memref_slice %arg7[%dma_start3A_201] : memref<16384xf32, #tpu.memory_space<vmem>> -> memref<1024xf32, #tpu.memory_space<vmem>>
    %dma_start3A_203 = tpu.memref_slice %arg4[%add3A_200] : memref<524288xf32, #tpu.memory_space<hbm>> -> memref<1024xf32, #tpu.memory_space<hbm>>
    %dma_start3A_204 = tpu.memref_slice %arg4[%add3A_200] : memref<524288xf32, #tpu.memory_space<hbm>> -> memref<1024xf32, #tpu.memory_space<hbm>>
    %dma_start3A_205 = arith.constant 9216 : i32
    %dma_start3A_206 = tpu.memref_slice %arg7[%dma_start3A_205] : memref<16384xf32, #tpu.memory_space<vmem>> -> memref<1024xf32, #tpu.memory_space<vmem>>
    tpu.enqueue_dma source(%dma_start3A_206 : memref<1024xf32, #tpu.memory_space<vmem>>) target(%dma_start3A_204 : memref<1024xf32, #tpu.memory_space<hbm>>) target_semaphore(%arg8 : memref<!tpu.dma_semaphore, #tpu.memory_space<semaphore_mem>>)
    %slice3A_207 = vector.extract_strided_slice %get3A_7 {offsets = [10], sizes = [1], strides = [1]} : vector<16xi32> to vector<1xi32>
    %squeeze3A_208 = vector.extract %slice3A_207[0] : i32 from vector<1xi32>
    %broadcast_in_dim3A_209 = vector.broadcast %squeeze3A_208 : i32 to vector<16xi32>
    %slice3A_210 = vector.extract_strided_slice %get3A_10 {offsets = [10], sizes = [1], strides = [1]} : vector<16xi32> to vector<1xi32>
    %squeeze3A_211 = vector.extract %slice3A_210[0] : i32 from vector<1xi32>
    %broadcast_in_dim3A_212 = vector.broadcast %squeeze3A_211 : i32 to vector<16xi32>
    %scan3A_213 = arith.constant 0 : i32
    %scan3A_214 = arith.constant 0 : i32
    %scan3A_215 = arith.constant 64 : i32
    %scan3A_216 = arith.addi %scan3A_214, %scan3A_215 : i32
    %scan3A_217 = arith.constant 1 : i32
    scf.for %scan3A_422 = %scan3A_214 to %scan3A_216 step %scan3A_217  : i32 {
      %mul3A_423 = arith.constant 16 : i32
      %mul3A_424 = arith.muli %scan3A_422, %mul3A_423 : i32
      %add3A_425 = arith.addi %mul3A_2, %mul3A_424 : i32
      %broadcast_in_dim3A_426 = vector.broadcast %add3A_425 : i32 to vector<16xi32>
      %add3A_427 = arith.addi %broadcast_in_dim3A_426, %iota3A : vector<16xi32>
      %le3A = arith.cmpi sle, %broadcast_in_dim3A_209, %add3A_427 : vector<16xi32>
      %lt3A = arith.cmpi slt, %add3A_427, %broadcast_in_dim3A_212 : vector<16xi32>
      %and3A = arith.andi %le3A, %lt3A : vector<16xi1>
      %select_n3A = arith.select %and3A, %broadcast_in_dim3A_3, %broadcast_in_dim3A_5 : vector<16xi1>, vector<16xf32>
      %mul3A_428 = arith.constant 16 : i32
      %mul3A_429 = arith.muli %scan3A_422, %mul3A_428 : i32
      %add3A_430 = arith.constant 10240 : i32
      %add3A_431 = arith.addi %add3A_430, %mul3A_429 : i32
      %swap3A = arith.index_cast %add3A_431 : i32 to index
      %swap3A_432 = tpu.vector_load %arg7[%swap3A] {strides = array<i32>} : memref<16384xf32, #tpu.memory_space<vmem>>, vector<16xf32>,
      %swap3A_433 = vector.shape_cast %swap3A_432 : vector<16xf32> to vector<16xf32>
      %swap3A_434 = vector.shape_cast %select_n3A : vector<16xf32> to vector<16xf32>
      tpu.vector_store %arg7[%swap3A], %swap3A_434 {strides = array<i32>} : memref<16384xf32, #tpu.memory_space<vmem>>, vector<16xf32>,
    }
    %scan3A_218 = arith.constant 64 : i32
    %add3A_219 = arith.constant 327680 : i32
    %add3A_220 = arith.addi %add3A_219, %mul3A_2 : i32
    %dma_start3A_221 = arith.constant 10240 : i32
    %dma_start3A_222 = tpu.memref_slice %arg7[%dma_start3A_221] : memref<16384xf32, #tpu.memory_space<vmem>> -> memref<1024xf32, #tpu.memory_space<vmem>>
    %dma_start3A_223 = tpu.memref_slice %arg4[%add3A_220] : memref<524288xf32, #tpu.memory_space<hbm>> -> memref<1024xf32, #tpu.memory_space<hbm>>
    %dma_start3A_224 = tpu.memref_slice %arg4[%add3A_220] : memref<524288xf32, #tpu.memory_space<hbm>> -> memref<1024xf32, #tpu.memory_space<hbm>>
    %dma_start3A_225 = arith.constant 10240 : i32
    %dma_start3A_226 = tpu.memref_slice %arg7[%dma_start3A_225] : memref<16384xf32, #tpu.memory_space<vmem>> -> memref<1024xf32, #tpu.memory_space<vmem>>
    tpu.enqueue_dma source(%dma_start3A_226 : memref<1024xf32, #tpu.memory_space<vmem>>) target(%dma_start3A_224 : memref<1024xf32, #tpu.memory_space<hbm>>) target_semaphore(%arg8 : memref<!tpu.dma_semaphore, #tpu.memory_space<semaphore_mem>>)
    %slice3A_227 = vector.extract_strided_slice %get3A_7 {offsets = [11], sizes = [1], strides = [1]} : vector<16xi32> to vector<1xi32>
    %squeeze3A_228 = vector.extract %slice3A_227[0] : i32 from vector<1xi32>
    %broadcast_in_dim3A_229 = vector.broadcast %squeeze3A_228 : i32 to vector<16xi32>
    %slice3A_230 = vector.extract_strided_slice %get3A_10 {offsets = [11], sizes = [1], strides = [1]} : vector<16xi32> to vector<1xi32>
    %squeeze3A_231 = vector.extract %slice3A_230[0] : i32 from vector<1xi32>
    %broadcast_in_dim3A_232 = vector.broadcast %squeeze3A_231 : i32 to vector<16xi32>
    %scan3A_233 = arith.constant 0 : i32
    %scan3A_234 = arith.constant 0 : i32
    %scan3A_235 = arith.constant 64 : i32
    %scan3A_236 = arith.addi %scan3A_234, %scan3A_235 : i32
    %scan3A_237 = arith.constant 1 : i32
    scf.for %scan3A_422 = %scan3A_234 to %scan3A_236 step %scan3A_237  : i32 {
      %mul3A_423 = arith.constant 16 : i32
      %mul3A_424 = arith.muli %scan3A_422, %mul3A_423 : i32
      %add3A_425 = arith.addi %mul3A_2, %mul3A_424 : i32
      %broadcast_in_dim3A_426 = vector.broadcast %add3A_425 : i32 to vector<16xi32>
      %add3A_427 = arith.addi %broadcast_in_dim3A_426, %iota3A : vector<16xi32>
      %le3A = arith.cmpi sle, %broadcast_in_dim3A_229, %add3A_427 : vector<16xi32>
      %lt3A = arith.cmpi slt, %add3A_427, %broadcast_in_dim3A_232 : vector<16xi32>
      %and3A = arith.andi %le3A, %lt3A : vector<16xi1>
      %select_n3A = arith.select %and3A, %broadcast_in_dim3A_3, %broadcast_in_dim3A_5 : vector<16xi1>, vector<16xf32>
      %mul3A_428 = arith.constant 16 : i32
      %mul3A_429 = arith.muli %scan3A_422, %mul3A_428 : i32
      %add3A_430 = arith.constant 11264 : i32
      %add3A_431 = arith.addi %add3A_430, %mul3A_429 : i32
      %swap3A = arith.index_cast %add3A_431 : i32 to index
      %swap3A_432 = tpu.vector_load %arg7[%swap3A] {strides = array<i32>} : memref<16384xf32, #tpu.memory_space<vmem>>, vector<16xf32>,
      %swap3A_433 = vector.shape_cast %swap3A_432 : vector<16xf32> to vector<16xf32>
      %swap3A_434 = vector.shape_cast %select_n3A : vector<16xf32> to vector<16xf32>
      tpu.vector_store %arg7[%swap3A], %swap3A_434 {strides = array<i32>} : memref<16384xf32, #tpu.memory_space<vmem>>, vector<16xf32>,
    }
    %scan3A_238 = arith.constant 64 : i32
    %add3A_239 = arith.constant 360448 : i32
    %add3A_240 = arith.addi %add3A_239, %mul3A_2 : i32
    %dma_start3A_241 = arith.constant 11264 : i32
    %dma_start3A_242 = tpu.memref_slice %arg7[%dma_start3A_241] : memref<16384xf32, #tpu.memory_space<vmem>> -> memref<1024xf32, #tpu.memory_space<vmem>>
    %dma_start3A_243 = tpu.memref_slice %arg4[%add3A_240] : memref<524288xf32, #tpu.memory_space<hbm>> -> memref<1024xf32, #tpu.memory_space<hbm>>
    %dma_start3A_244 = tpu.memref_slice %arg4[%add3A_240] : memref<524288xf32, #tpu.memory_space<hbm>> -> memref<1024xf32, #tpu.memory_space<hbm>>
    %dma_start3A_245 = arith.constant 11264 : i32
    %dma_start3A_246 = tpu.memref_slice %arg7[%dma_start3A_245] : memref<16384xf32, #tpu.memory_space<vmem>> -> memref<1024xf32, #tpu.memory_space<vmem>>
    tpu.enqueue_dma source(%dma_start3A_246 : memref<1024xf32, #tpu.memory_space<vmem>>) target(%dma_start3A_244 : memref<1024xf32, #tpu.memory_space<hbm>>) target_semaphore(%arg8 : memref<!tpu.dma_semaphore, #tpu.memory_space<semaphore_mem>>)
    %slice3A_247 = vector.extract_strided_slice %get3A_7 {offsets = [12], sizes = [1], strides = [1]} : vector<16xi32> to vector<1xi32>
    %squeeze3A_248 = vector.extract %slice3A_247[0] : i32 from vector<1xi32>
    %broadcast_in_dim3A_249 = vector.broadcast %squeeze3A_248 : i32 to vector<16xi32>
    %slice3A_250 = vector.extract_strided_slice %get3A_10 {offsets = [12], sizes = [1], strides = [1]} : vector<16xi32> to vector<1xi32>
    %squeeze3A_251 = vector.extract %slice3A_250[0] : i32 from vector<1xi32>
    %broadcast_in_dim3A_252 = vector.broadcast %squeeze3A_251 : i32 to vector<16xi32>
    %scan3A_253 = arith.constant 0 : i32
    %scan3A_254 = arith.constant 0 : i32
    %scan3A_255 = arith.constant 64 : i32
    %scan3A_256 = arith.addi %scan3A_254, %scan3A_255 : i32
    %scan3A_257 = arith.constant 1 : i32
    scf.for %scan3A_422 = %scan3A_254 to %scan3A_256 step %scan3A_257  : i32 {
      %mul3A_423 = arith.constant 16 : i32
      %mul3A_424 = arith.muli %scan3A_422, %mul3A_423 : i32
      %add3A_425 = arith.addi %mul3A_2, %mul3A_424 : i32
      %broadcast_in_dim3A_426 = vector.broadcast %add3A_425 : i32 to vector<16xi32>
      %add3A_427 = arith.addi %broadcast_in_dim3A_426, %iota3A : vector<16xi32>
      %le3A = arith.cmpi sle, %broadcast_in_dim3A_249, %add3A_427 : vector<16xi32>
      %lt3A = arith.cmpi slt, %add3A_427, %broadcast_in_dim3A_252 : vector<16xi32>
      %and3A = arith.andi %le3A, %lt3A : vector<16xi1>
      %select_n3A = arith.select %and3A, %broadcast_in_dim3A_3, %broadcast_in_dim3A_5 : vector<16xi1>, vector<16xf32>
      %mul3A_428 = arith.constant 16 : i32
      %mul3A_429 = arith.muli %scan3A_422, %mul3A_428 : i32
      %add3A_430 = arith.constant 12288 : i32
      %add3A_431 = arith.addi %add3A_430, %mul3A_429 : i32
      %swap3A = arith.index_cast %add3A_431 : i32 to index
      %swap3A_432 = tpu.vector_load %arg7[%swap3A] {strides = array<i32>} : memref<16384xf32, #tpu.memory_space<vmem>>, vector<16xf32>,
      %swap3A_433 = vector.shape_cast %swap3A_432 : vector<16xf32> to vector<16xf32>
      %swap3A_434 = vector.shape_cast %select_n3A : vector<16xf32> to vector<16xf32>
      tpu.vector_store %arg7[%swap3A], %swap3A_434 {strides = array<i32>} : memref<16384xf32, #tpu.memory_space<vmem>>, vector<16xf32>,
    }
    %scan3A_258 = arith.constant 64 : i32
    %add3A_259 = arith.constant 393216 : i32
    %add3A_260 = arith.addi %add3A_259, %mul3A_2 : i32
    %dma_start3A_261 = arith.constant 12288 : i32
    %dma_start3A_262 = tpu.memref_slice %arg7[%dma_start3A_261] : memref<16384xf32, #tpu.memory_space<vmem>> -> memref<1024xf32, #tpu.memory_space<vmem>>
    %dma_start3A_263 = tpu.memref_slice %arg4[%add3A_260] : memref<524288xf32, #tpu.memory_space<hbm>> -> memref<1024xf32, #tpu.memory_space<hbm>>
    %dma_start3A_264 = tpu.memref_slice %arg4[%add3A_260] : memref<524288xf32, #tpu.memory_space<hbm>> -> memref<1024xf32, #tpu.memory_space<hbm>>
    %dma_start3A_265 = arith.constant 12288 : i32
    %dma_start3A_266 = tpu.memref_slice %arg7[%dma_start3A_265] : memref<16384xf32, #tpu.memory_space<vmem>> -> memref<1024xf32, #tpu.memory_space<vmem>>
    tpu.enqueue_dma source(%dma_start3A_266 : memref<1024xf32, #tpu.memory_space<vmem>>) target(%dma_start3A_264 : memref<1024xf32, #tpu.memory_space<hbm>>) target_semaphore(%arg8 : memref<!tpu.dma_semaphore, #tpu.memory_space<semaphore_mem>>)
    %slice3A_267 = vector.extract_strided_slice %get3A_7 {offsets = [13], sizes = [1], strides = [1]} : vector<16xi32> to vector<1xi32>
    %squeeze3A_268 = vector.extract %slice3A_267[0] : i32 from vector<1xi32>
    %broadcast_in_dim3A_269 = vector.broadcast %squeeze3A_268 : i32 to vector<16xi32>
    %slice3A_270 = vector.extract_strided_slice %get3A_10 {offsets = [13], sizes = [1], strides = [1]} : vector<16xi32> to vector<1xi32>
    %squeeze3A_271 = vector.extract %slice3A_270[0] : i32 from vector<1xi32>
    %broadcast_in_dim3A_272 = vector.broadcast %squeeze3A_271 : i32 to vector<16xi32>
    %scan3A_273 = arith.constant 0 : i32
    %scan3A_274 = arith.constant 0 : i32
    %scan3A_275 = arith.constant 64 : i32
    %scan3A_276 = arith.addi %scan3A_274, %scan3A_275 : i32
    %scan3A_277 = arith.constant 1 : i32
    scf.for %scan3A_422 = %scan3A_274 to %scan3A_276 step %scan3A_277  : i32 {
      %mul3A_423 = arith.constant 16 : i32
      %mul3A_424 = arith.muli %scan3A_422, %mul3A_423 : i32
      %add3A_425 = arith.addi %mul3A_2, %mul3A_424 : i32
      %broadcast_in_dim3A_426 = vector.broadcast %add3A_425 : i32 to vector<16xi32>
      %add3A_427 = arith.addi %broadcast_in_dim3A_426, %iota3A : vector<16xi32>
      %le3A = arith.cmpi sle, %broadcast_in_dim3A_269, %add3A_427 : vector<16xi32>
      %lt3A = arith.cmpi slt, %add3A_427, %broadcast_in_dim3A_272 : vector<16xi32>
      %and3A = arith.andi %le3A, %lt3A : vector<16xi1>
      %select_n3A = arith.select %and3A, %broadcast_in_dim3A_3, %broadcast_in_dim3A_5 : vector<16xi1>, vector<16xf32>
      %mul3A_428 = arith.constant 16 : i32
      %mul3A_429 = arith.muli %scan3A_422, %mul3A_428 : i32
      %add3A_430 = arith.constant 13312 : i32
      %add3A_431 = arith.addi %add3A_430, %mul3A_429 : i32
      %swap3A = arith.index_cast %add3A_431 : i32 to index
      %swap3A_432 = tpu.vector_load %arg7[%swap3A] {strides = array<i32>} : memref<16384xf32, #tpu.memory_space<vmem>>, vector<16xf32>,
      %swap3A_433 = vector.shape_cast %swap3A_432 : vector<16xf32> to vector<16xf32>
      %swap3A_434 = vector.shape_cast %select_n3A : vector<16xf32> to vector<16xf32>
      tpu.vector_store %arg7[%swap3A], %swap3A_434 {strides = array<i32>} : memref<16384xf32, #tpu.memory_space<vmem>>, vector<16xf32>,
    }
    %scan3A_278 = arith.constant 64 : i32
    %add3A_279 = arith.constant 425984 : i32
    %add3A_280 = arith.addi %add3A_279, %mul3A_2 : i32
    %dma_start3A_281 = arith.constant 13312 : i32
    %dma_start3A_282 = tpu.memref_slice %arg7[%dma_start3A_281] : memref<16384xf32, #tpu.memory_space<vmem>> -> memref<1024xf32, #tpu.memory_space<vmem>>
    %dma_start3A_283 = tpu.memref_slice %arg4[%add3A_280] : memref<524288xf32, #tpu.memory_space<hbm>> -> memref<1024xf32, #tpu.memory_space<hbm>>
    %dma_start3A_284 = tpu.memref_slice %arg4[%add3A_280] : memref<524288xf32, #tpu.memory_space<hbm>> -> memref<1024xf32, #tpu.memory_space<hbm>>
    %dma_start3A_285 = arith.constant 13312 : i32
    %dma_start3A_286 = tpu.memref_slice %arg7[%dma_start3A_285] : memref<16384xf32, #tpu.memory_space<vmem>> -> memref<1024xf32, #tpu.memory_space<vmem>>
    tpu.enqueue_dma source(%dma_start3A_286 : memref<1024xf32, #tpu.memory_space<vmem>>) target(%dma_start3A_284 : memref<1024xf32, #tpu.memory_space<hbm>>) target_semaphore(%arg8 : memref<!tpu.dma_semaphore, #tpu.memory_space<semaphore_mem>>)
    %slice3A_287 = vector.extract_strided_slice %get3A_7 {offsets = [14], sizes = [1], strides = [1]} : vector<16xi32> to vector<1xi32>
    %squeeze3A_288 = vector.extract %slice3A_287[0] : i32 from vector<1xi32>
    %broadcast_in_dim3A_289 = vector.broadcast %squeeze3A_288 : i32 to vector<16xi32>
    %slice3A_290 = vector.extract_strided_slice %get3A_10 {offsets = [14], sizes = [1], strides = [1]} : vector<16xi32> to vector<1xi32>
    %squeeze3A_291 = vector.extract %slice3A_290[0] : i32 from vector<1xi32>
    %broadcast_in_dim3A_292 = vector.broadcast %squeeze3A_291 : i32 to vector<16xi32>
    %scan3A_293 = arith.constant 0 : i32
    %scan3A_294 = arith.constant 0 : i32
    %scan3A_295 = arith.constant 64 : i32
    %scan3A_296 = arith.addi %scan3A_294, %scan3A_295 : i32
    %scan3A_297 = arith.constant 1 : i32
    scf.for %scan3A_422 = %scan3A_294 to %scan3A_296 step %scan3A_297  : i32 {
      %mul3A_423 = arith.constant 16 : i32
      %mul3A_424 = arith.muli %scan3A_422, %mul3A_423 : i32
      %add3A_425 = arith.addi %mul3A_2, %mul3A_424 : i32
      %broadcast_in_dim3A_426 = vector.broadcast %add3A_425 : i32 to vector<16xi32>
      %add3A_427 = arith.addi %broadcast_in_dim3A_426, %iota3A : vector<16xi32>
      %le3A = arith.cmpi sle, %broadcast_in_dim3A_289, %add3A_427 : vector<16xi32>
      %lt3A = arith.cmpi slt, %add3A_427, %broadcast_in_dim3A_292 : vector<16xi32>
      %and3A = arith.andi %le3A, %lt3A : vector<16xi1>
      %select_n3A = arith.select %and3A, %broadcast_in_dim3A_3, %broadcast_in_dim3A_5 : vector<16xi1>, vector<16xf32>
      %mul3A_428 = arith.constant 16 : i32
      %mul3A_429 = arith.muli %scan3A_422, %mul3A_428 : i32
      %add3A_430 = arith.constant 14336 : i32
      %add3A_431 = arith.addi %add3A_430, %mul3A_429 : i32
      %swap3A = arith.index_cast %add3A_431 : i32 to index
      %swap3A_432 = tpu.vector_load %arg7[%swap3A] {strides = array<i32>} : memref<16384xf32, #tpu.memory_space<vmem>>, vector<16xf32>,
      %swap3A_433 = vector.shape_cast %swap3A_432 : vector<16xf32> to vector<16xf32>
      %swap3A_434 = vector.shape_cast %select_n3A : vector<16xf32> to vector<16xf32>
      tpu.vector_store %arg7[%swap3A], %swap3A_434 {strides = array<i32>} : memref<16384xf32, #tpu.memory_space<vmem>>, vector<16xf32>,
    }
    %scan3A_298 = arith.constant 64 : i32
    %add3A_299 = arith.constant 458752 : i32
    %add3A_300 = arith.addi %add3A_299, %mul3A_2 : i32
    %dma_start3A_301 = arith.constant 14336 : i32
    %dma_start3A_302 = tpu.memref_slice %arg7[%dma_start3A_301] : memref<16384xf32, #tpu.memory_space<vmem>> -> memref<1024xf32, #tpu.memory_space<vmem>>
    %dma_start3A_303 = tpu.memref_slice %arg4[%add3A_300] : memref<524288xf32, #tpu.memory_space<hbm>> -> memref<1024xf32, #tpu.memory_space<hbm>>
    %dma_start3A_304 = tpu.memref_slice %arg4[%add3A_300] : memref<524288xf32, #tpu.memory_space<hbm>> -> memref<1024xf32, #tpu.memory_space<hbm>>
    %dma_start3A_305 = arith.constant 14336 : i32
    %dma_start3A_306 = tpu.memref_slice %arg7[%dma_start3A_305] : memref<16384xf32, #tpu.memory_space<vmem>> -> memref<1024xf32, #tpu.memory_space<vmem>>
    tpu.enqueue_dma source(%dma_start3A_306 : memref<1024xf32, #tpu.memory_space<vmem>>) target(%dma_start3A_304 : memref<1024xf32, #tpu.memory_space<hbm>>) target_semaphore(%arg8 : memref<!tpu.dma_semaphore, #tpu.memory_space<semaphore_mem>>)
    %slice3A_307 = vector.extract_strided_slice %get3A_7 {offsets = [15], sizes = [1], strides = [1]} : vector<16xi32> to vector<1xi32>
    %squeeze3A_308 = vector.extract %slice3A_307[0] : i32 from vector<1xi32>
    %broadcast_in_dim3A_309 = vector.broadcast %squeeze3A_308 : i32 to vector<16xi32>
    %slice3A_310 = vector.extract_strided_slice %get3A_10 {offsets = [15], sizes = [1], strides = [1]} : vector<16xi32> to vector<1xi32>
    %squeeze3A_311 = vector.extract %slice3A_310[0] : i32 from vector<1xi32>
    %broadcast_in_dim3A_312 = vector.broadcast %squeeze3A_311 : i32 to vector<16xi32>
    %scan3A_313 = arith.constant 0 : i32
    %scan3A_314 = arith.constant 0 : i32
    %scan3A_315 = arith.constant 64 : i32
    %scan3A_316 = arith.addi %scan3A_314, %scan3A_315 : i32
    %scan3A_317 = arith.constant 1 : i32
    scf.for %scan3A_422 = %scan3A_314 to %scan3A_316 step %scan3A_317  : i32 {
      %mul3A_423 = arith.constant 16 : i32
      %mul3A_424 = arith.muli %scan3A_422, %mul3A_423 : i32
      %add3A_425 = arith.addi %mul3A_2, %mul3A_424 : i32
      %broadcast_in_dim3A_426 = vector.broadcast %add3A_425 : i32 to vector<16xi32>
      %add3A_427 = arith.addi %broadcast_in_dim3A_426, %iota3A : vector<16xi32>
      %le3A = arith.cmpi sle, %broadcast_in_dim3A_309, %add3A_427 : vector<16xi32>
      %lt3A = arith.cmpi slt, %add3A_427, %broadcast_in_dim3A_312 : vector<16xi32>
      %and3A = arith.andi %le3A, %lt3A : vector<16xi1>
      %select_n3A = arith.select %and3A, %broadcast_in_dim3A_3, %broadcast_in_dim3A_5 : vector<16xi1>, vector<16xf32>
      %mul3A_428 = arith.constant 16 : i32
      %mul3A_429 = arith.muli %scan3A_422, %mul3A_428 : i32
      %add3A_430 = arith.constant 15360 : i32
      %add3A_431 = arith.addi %add3A_430, %mul3A_429 : i32
      %swap3A = arith.index_cast %add3A_431 : i32 to index
      %swap3A_432 = tpu.vector_load %arg7[%swap3A] {strides = array<i32>} : memref<16384xf32, #tpu.memory_space<vmem>>, vector<16xf32>,
      %swap3A_433 = vector.shape_cast %swap3A_432 : vector<16xf32> to vector<16xf32>
      %swap3A_434 = vector.shape_cast %select_n3A : vector<16xf32> to vector<16xf32>
      tpu.vector_store %arg7[%swap3A], %swap3A_434 {strides = array<i32>} : memref<16384xf32, #tpu.memory_space<vmem>>, vector<16xf32>,
    }
    %scan3A_318 = arith.constant 64 : i32
    %add3A_319 = arith.constant 491520 : i32
    %add3A_320 = arith.addi %add3A_319, %mul3A_2 : i32
    %dma_start3A_321 = arith.constant 15360 : i32
    %dma_start3A_322 = tpu.memref_slice %arg7[%dma_start3A_321] : memref<16384xf32, #tpu.memory_space<vmem>> -> memref<1024xf32, #tpu.memory_space<vmem>>
    %dma_start3A_323 = tpu.memref_slice %arg4[%add3A_320] : memref<524288xf32, #tpu.memory_space<hbm>> -> memref<1024xf32, #tpu.memory_space<hbm>>
    %dma_start3A_324 = tpu.memref_slice %arg4[%add3A_320] : memref<524288xf32, #tpu.memory_space<hbm>> -> memref<1024xf32, #tpu.memory_space<hbm>>
    %dma_start3A_325 = arith.constant 15360 : i32
    %dma_start3A_326 = tpu.memref_slice %arg7[%dma_start3A_325] : memref<16384xf32, #tpu.memory_space<vmem>> -> memref<1024xf32, #tpu.memory_space<vmem>>
    tpu.enqueue_dma source(%dma_start3A_326 : memref<1024xf32, #tpu.memory_space<vmem>>) target(%dma_start3A_324 : memref<1024xf32, #tpu.memory_space<hbm>>) target_semaphore(%arg8 : memref<!tpu.dma_semaphore, #tpu.memory_space<semaphore_mem>>)
    %dma_wait3A = arith.constant 0 : i32
    %dma_wait3A_327 = tpu.memref_slice %arg7[%dma_wait3A] : memref<16384xf32, #tpu.memory_space<vmem>> -> memref<1024xf32, #tpu.memory_space<vmem>>
    %dma_wait3A_328 = tpu.memref_slice %arg4[%add3A_21] : memref<524288xf32, #tpu.memory_space<hbm>> -> memref<1024xf32, #tpu.memory_space<hbm>>
    %dma_wait3A_329 = tpu.memref_slice %arg4[%add3A_21] : memref<524288xf32, #tpu.memory_space<hbm>> -> memref<1024xf32, #tpu.memory_space<hbm>>
    %dma_wait3A_330 = arith.constant 0 : i32
    %dma_wait3A_331 = tpu.memref_slice %arg7[%dma_wait3A_330] : memref<16384xf32, #tpu.memory_space<vmem>> -> memref<1024xf32, #tpu.memory_space<vmem>>
    tpu.wait_dma2 semaphore(%arg8 : memref<!tpu.dma_semaphore, #tpu.memory_space<semaphore_mem>>) src(%dma_wait3A_331 : memref<1024xf32, #tpu.memory_space<vmem>>) dst(%dma_wait3A_329 : memref<1024xf32, #tpu.memory_space<hbm>>)
    %dma_wait3A_332 = arith.constant 1024 : i32
    %dma_wait3A_333 = tpu.memref_slice %arg7[%dma_wait3A_332] : memref<16384xf32, #tpu.memory_space<vmem>> -> memref<1024xf32, #tpu.memory_space<vmem>>
    %dma_wait3A_334 = tpu.memref_slice %arg4[%add3A_40] : memref<524288xf32, #tpu.memory_space<hbm>> -> memref<1024xf32, #tpu.memory_space<hbm>>
    %dma_wait3A_335 = tpu.memref_slice %arg4[%add3A_40] : memref<524288xf32, #tpu.memory_space<hbm>> -> memref<1024xf32, #tpu.memory_space<hbm>>
    %dma_wait3A_336 = arith.constant 1024 : i32
    %dma_wait3A_337 = tpu.memref_slice %arg7[%dma_wait3A_336] : memref<16384xf32, #tpu.memory_space<vmem>> -> memref<1024xf32, #tpu.memory_space<vmem>>
    tpu.wait_dma2 semaphore(%arg8 : memref<!tpu.dma_semaphore, #tpu.memory_space<semaphore_mem>>) src(%dma_wait3A_337 : memref<1024xf32, #tpu.memory_space<vmem>>) dst(%dma_wait3A_335 : memref<1024xf32, #tpu.memory_space<hbm>>)
    %dma_wait3A_338 = arith.constant 2048 : i32
    %dma_wait3A_339 = tpu.memref_slice %arg7[%dma_wait3A_338] : memref<16384xf32, #tpu.memory_space<vmem>> -> memref<1024xf32, #tpu.memory_space<vmem>>
    %dma_wait3A_340 = tpu.memref_slice %arg4[%add3A_60] : memref<524288xf32, #tpu.memory_space<hbm>> -> memref<1024xf32, #tpu.memory_space<hbm>>
    %dma_wait3A_341 = tpu.memref_slice %arg4[%add3A_60] : memref<524288xf32, #tpu.memory_space<hbm>> -> memref<1024xf32, #tpu.memory_space<hbm>>
    %dma_wait3A_342 = arith.constant 2048 : i32
    %dma_wait3A_343 = tpu.memref_slice %arg7[%dma_wait3A_342] : memref<16384xf32, #tpu.memory_space<vmem>> -> memref<1024xf32, #tpu.memory_space<vmem>>
    tpu.wait_dma2 semaphore(%arg8 : memref<!tpu.dma_semaphore, #tpu.memory_space<semaphore_mem>>) src(%dma_wait3A_343 : memref<1024xf32, #tpu.memory_space<vmem>>) dst(%dma_wait3A_341 : memref<1024xf32, #tpu.memory_space<hbm>>)
    %dma_wait3A_344 = arith.constant 3072 : i32
    %dma_wait3A_345 = tpu.memref_slice %arg7[%dma_wait3A_344] : memref<16384xf32, #tpu.memory_space<vmem>> -> memref<1024xf32, #tpu.memory_space<vmem>>
    %dma_wait3A_346 = tpu.memref_slice %arg4[%add3A_80] : memref<524288xf32, #tpu.memory_space<hbm>> -> memref<1024xf32, #tpu.memory_space<hbm>>
    %dma_wait3A_347 = tpu.memref_slice %arg4[%add3A_80] : memref<524288xf32, #tpu.memory_space<hbm>> -> memref<1024xf32, #tpu.memory_space<hbm>>
    %dma_wait3A_348 = arith.constant 3072 : i32
    %dma_wait3A_349 = tpu.memref_slice %arg7[%dma_wait3A_348] : memref<16384xf32, #tpu.memory_space<vmem>> -> memref<1024xf32, #tpu.memory_space<vmem>>
    tpu.wait_dma2 semaphore(%arg8 : memref<!tpu.dma_semaphore, #tpu.memory_space<semaphore_mem>>) src(%dma_wait3A_349 : memref<1024xf32, #tpu.memory_space<vmem>>) dst(%dma_wait3A_347 : memref<1024xf32, #tpu.memory_space<hbm>>)
    %dma_wait3A_350 = arith.constant 4096 : i32
    %dma_wait3A_351 = tpu.memref_slice %arg7[%dma_wait3A_350] : memref<16384xf32, #tpu.memory_space<vmem>> -> memref<1024xf32, #tpu.memory_space<vmem>>
    %dma_wait3A_352 = tpu.memref_slice %arg4[%add3A_100] : memref<524288xf32, #tpu.memory_space<hbm>> -> memref<1024xf32, #tpu.memory_space<hbm>>
    %dma_wait3A_353 = tpu.memref_slice %arg4[%add3A_100] : memref<524288xf32, #tpu.memory_space<hbm>> -> memref<1024xf32, #tpu.memory_space<hbm>>
    %dma_wait3A_354 = arith.constant 4096 : i32
    %dma_wait3A_355 = tpu.memref_slice %arg7[%dma_wait3A_354] : memref<16384xf32, #tpu.memory_space<vmem>> -> memref<1024xf32, #tpu.memory_space<vmem>>
    tpu.wait_dma2 semaphore(%arg8 : memref<!tpu.dma_semaphore, #tpu.memory_space<semaphore_mem>>) src(%dma_wait3A_355 : memref<1024xf32, #tpu.memory_space<vmem>>) dst(%dma_wait3A_353 : memref<1024xf32, #tpu.memory_space<hbm>>)
    %dma_wait3A_356 = arith.constant 5120 : i32
    %dma_wait3A_357 = tpu.memref_slice %arg7[%dma_wait3A_356] : memref<16384xf32, #tpu.memory_space<vmem>> -> memref<1024xf32, #tpu.memory_space<vmem>>
    %dma_wait3A_358 = tpu.memref_slice %arg4[%add3A_120] : memref<524288xf32, #tpu.memory_space<hbm>> -> memref<1024xf32, #tpu.memory_space<hbm>>
    %dma_wait3A_359 = tpu.memref_slice %arg4[%add3A_120] : memref<524288xf32, #tpu.memory_space<hbm>> -> memref<1024xf32, #tpu.memory_space<hbm>>
    %dma_wait3A_360 = arith.constant 5120 : i32
    %dma_wait3A_361 = tpu.memref_slice %arg7[%dma_wait3A_360] : memref<16384xf32, #tpu.memory_space<vmem>> -> memref<1024xf32, #tpu.memory_space<vmem>>
    tpu.wait_dma2 semaphore(%arg8 : memref<!tpu.dma_semaphore, #tpu.memory_space<semaphore_mem>>) src(%dma_wait3A_361 : memref<1024xf32, #tpu.memory_space<vmem>>) dst(%dma_wait3A_359 : memref<1024xf32, #tpu.memory_space<hbm>>)
    %dma_wait3A_362 = arith.constant 6144 : i32
    %dma_wait3A_363 = tpu.memref_slice %arg7[%dma_wait3A_362] : memref<16384xf32, #tpu.memory_space<vmem>> -> memref<1024xf32, #tpu.memory_space<vmem>>
    %dma_wait3A_364 = tpu.memref_slice %arg4[%add3A_140] : memref<524288xf32, #tpu.memory_space<hbm>> -> memref<1024xf32, #tpu.memory_space<hbm>>
    %dma_wait3A_365 = tpu.memref_slice %arg4[%add3A_140] : memref<524288xf32, #tpu.memory_space<hbm>> -> memref<1024xf32, #tpu.memory_space<hbm>>
    %dma_wait3A_366 = arith.constant 6144 : i32
    %dma_wait3A_367 = tpu.memref_slice %arg7[%dma_wait3A_366] : memref<16384xf32, #tpu.memory_space<vmem>> -> memref<1024xf32, #tpu.memory_space<vmem>>
    tpu.wait_dma2 semaphore(%arg8 : memref<!tpu.dma_semaphore, #tpu.memory_space<semaphore_mem>>) src(%dma_wait3A_367 : memref<1024xf32, #tpu.memory_space<vmem>>) dst(%dma_wait3A_365 : memref<1024xf32, #tpu.memory_space<hbm>>)
    %dma_wait3A_368 = arith.constant 7168 : i32
    %dma_wait3A_369 = tpu.memref_slice %arg7[%dma_wait3A_368] : memref<16384xf32, #tpu.memory_space<vmem>> -> memref<1024xf32, #tpu.memory_space<vmem>>
    %dma_wait3A_370 = tpu.memref_slice %arg4[%add3A_160] : memref<524288xf32, #tpu.memory_space<hbm>> -> memref<1024xf32, #tpu.memory_space<hbm>>
    %dma_wait3A_371 = tpu.memref_slice %arg4[%add3A_160] : memref<524288xf32, #tpu.memory_space<hbm>> -> memref<1024xf32, #tpu.memory_space<hbm>>
    %dma_wait3A_372 = arith.constant 7168 : i32
    %dma_wait3A_373 = tpu.memref_slice %arg7[%dma_wait3A_372] : memref<16384xf32, #tpu.memory_space<vmem>> -> memref<1024xf32, #tpu.memory_space<vmem>>
    tpu.wait_dma2 semaphore(%arg8 : memref<!tpu.dma_semaphore, #tpu.memory_space<semaphore_mem>>) src(%dma_wait3A_373 : memref<1024xf32, #tpu.memory_space<vmem>>) dst(%dma_wait3A_371 : memref<1024xf32, #tpu.memory_space<hbm>>)
    %dma_wait3A_374 = arith.constant 8192 : i32
    %dma_wait3A_375 = tpu.memref_slice %arg7[%dma_wait3A_374] : memref<16384xf32, #tpu.memory_space<vmem>> -> memref<1024xf32, #tpu.memory_space<vmem>>
    %dma_wait3A_376 = tpu.memref_slice %arg4[%add3A_180] : memref<524288xf32, #tpu.memory_space<hbm>> -> memref<1024xf32, #tpu.memory_space<hbm>>
    %dma_wait3A_377 = tpu.memref_slice %arg4[%add3A_180] : memref<524288xf32, #tpu.memory_space<hbm>> -> memref<1024xf32, #tpu.memory_space<hbm>>
    %dma_wait3A_378 = arith.constant 8192 : i32
    %dma_wait3A_379 = tpu.memref_slice %arg7[%dma_wait3A_378] : memref<16384xf32, #tpu.memory_space<vmem>> -> memref<1024xf32, #tpu.memory_space<vmem>>
    tpu.wait_dma2 semaphore(%arg8 : memref<!tpu.dma_semaphore, #tpu.memory_space<semaphore_mem>>) src(%dma_wait3A_379 : memref<1024xf32, #tpu.memory_space<vmem>>) dst(%dma_wait3A_377 : memref<1024xf32, #tpu.memory_space<hbm>>)
    %dma_wait3A_380 = arith.constant 9216 : i32
    %dma_wait3A_381 = tpu.memref_slice %arg7[%dma_wait3A_380] : memref<16384xf32, #tpu.memory_space<vmem>> -> memref<1024xf32, #tpu.memory_space<vmem>>
    %dma_wait3A_382 = tpu.memref_slice %arg4[%add3A_200] : memref<524288xf32, #tpu.memory_space<hbm>> -> memref<1024xf32, #tpu.memory_space<hbm>>
    %dma_wait3A_383 = tpu.memref_slice %arg4[%add3A_200] : memref<524288xf32, #tpu.memory_space<hbm>> -> memref<1024xf32, #tpu.memory_space<hbm>>
    %dma_wait3A_384 = arith.constant 9216 : i32
    %dma_wait3A_385 = tpu.memref_slice %arg7[%dma_wait3A_384] : memref<16384xf32, #tpu.memory_space<vmem>> -> memref<1024xf32, #tpu.memory_space<vmem>>
    tpu.wait_dma2 semaphore(%arg8 : memref<!tpu.dma_semaphore, #tpu.memory_space<semaphore_mem>>) src(%dma_wait3A_385 : memref<1024xf32, #tpu.memory_space<vmem>>) dst(%dma_wait3A_383 : memref<1024xf32, #tpu.memory_space<hbm>>)
    %dma_wait3A_386 = arith.constant 10240 : i32
    %dma_wait3A_387 = tpu.memref_slice %arg7[%dma_wait3A_386] : memref<16384xf32, #tpu.memory_space<vmem>> -> memref<1024xf32, #tpu.memory_space<vmem>>
    %dma_wait3A_388 = tpu.memref_slice %arg4[%add3A_220] : memref<524288xf32, #tpu.memory_space<hbm>> -> memref<1024xf32, #tpu.memory_space<hbm>>
    %dma_wait3A_389 = tpu.memref_slice %arg4[%add3A_220] : memref<524288xf32, #tpu.memory_space<hbm>> -> memref<1024xf32, #tpu.memory_space<hbm>>
    %dma_wait3A_390 = arith.constant 10240 : i32
    %dma_wait3A_391 = tpu.memref_slice %arg7[%dma_wait3A_390] : memref<16384xf32, #tpu.memory_space<vmem>> -> memref<1024xf32, #tpu.memory_space<vmem>>
    tpu.wait_dma2 semaphore(%arg8 : memref<!tpu.dma_semaphore, #tpu.memory_space<semaphore_mem>>) src(%dma_wait3A_391 : memref<1024xf32, #tpu.memory_space<vmem>>) dst(%dma_wait3A_389 : memref<1024xf32, #tpu.memory_space<hbm>>)
    %dma_wait3A_392 = arith.constant 11264 : i32
    %dma_wait3A_393 = tpu.memref_slice %arg7[%dma_wait3A_392] : memref<16384xf32, #tpu.memory_space<vmem>> -> memref<1024xf32, #tpu.memory_space<vmem>>
    %dma_wait3A_394 = tpu.memref_slice %arg4[%add3A_240] : memref<524288xf32, #tpu.memory_space<hbm>> -> memref<1024xf32, #tpu.memory_space<hbm>>
    %dma_wait3A_395 = tpu.memref_slice %arg4[%add3A_240] : memref<524288xf32, #tpu.memory_space<hbm>> -> memref<1024xf32, #tpu.memory_space<hbm>>
    %dma_wait3A_396 = arith.constant 11264 : i32
    %dma_wait3A_397 = tpu.memref_slice %arg7[%dma_wait3A_396] : memref<16384xf32, #tpu.memory_space<vmem>> -> memref<1024xf32, #tpu.memory_space<vmem>>
    tpu.wait_dma2 semaphore(%arg8 : memref<!tpu.dma_semaphore, #tpu.memory_space<semaphore_mem>>) src(%dma_wait3A_397 : memref<1024xf32, #tpu.memory_space<vmem>>) dst(%dma_wait3A_395 : memref<1024xf32, #tpu.memory_space<hbm>>)
    %dma_wait3A_398 = arith.constant 12288 : i32
    %dma_wait3A_399 = tpu.memref_slice %arg7[%dma_wait3A_398] : memref<16384xf32, #tpu.memory_space<vmem>> -> memref<1024xf32, #tpu.memory_space<vmem>>
    %dma_wait3A_400 = tpu.memref_slice %arg4[%add3A_260] : memref<524288xf32, #tpu.memory_space<hbm>> -> memref<1024xf32, #tpu.memory_space<hbm>>
    %dma_wait3A_401 = tpu.memref_slice %arg4[%add3A_260] : memref<524288xf32, #tpu.memory_space<hbm>> -> memref<1024xf32, #tpu.memory_space<hbm>>
    %dma_wait3A_402 = arith.constant 12288 : i32
    %dma_wait3A_403 = tpu.memref_slice %arg7[%dma_wait3A_402] : memref<16384xf32, #tpu.memory_space<vmem>> -> memref<1024xf32, #tpu.memory_space<vmem>>
    tpu.wait_dma2 semaphore(%arg8 : memref<!tpu.dma_semaphore, #tpu.memory_space<semaphore_mem>>) src(%dma_wait3A_403 : memref<1024xf32, #tpu.memory_space<vmem>>) dst(%dma_wait3A_401 : memref<1024xf32, #tpu.memory_space<hbm>>)
    %dma_wait3A_404 = arith.constant 13312 : i32
    %dma_wait3A_405 = tpu.memref_slice %arg7[%dma_wait3A_404] : memref<16384xf32, #tpu.memory_space<vmem>> -> memref<1024xf32, #tpu.memory_space<vmem>>
    %dma_wait3A_406 = tpu.memref_slice %arg4[%add3A_280] : memref<524288xf32, #tpu.memory_space<hbm>> -> memref<1024xf32, #tpu.memory_space<hbm>>
    %dma_wait3A_407 = tpu.memref_slice %arg4[%add3A_280] : memref<524288xf32, #tpu.memory_space<hbm>> -> memref<1024xf32, #tpu.memory_space<hbm>>
    %dma_wait3A_408 = arith.constant 13312 : i32
    %dma_wait3A_409 = tpu.memref_slice %arg7[%dma_wait3A_408] : memref<16384xf32, #tpu.memory_space<vmem>> -> memref<1024xf32, #tpu.memory_space<vmem>>
    tpu.wait_dma2 semaphore(%arg8 : memref<!tpu.dma_semaphore, #tpu.memory_space<semaphore_mem>>) src(%dma_wait3A_409 : memref<1024xf32, #tpu.memory_space<vmem>>) dst(%dma_wait3A_407 : memref<1024xf32, #tpu.memory_space<hbm>>)
    %dma_wait3A_410 = arith.constant 14336 : i32
    %dma_wait3A_411 = tpu.memref_slice %arg7[%dma_wait3A_410] : memref<16384xf32, #tpu.memory_space<vmem>> -> memref<1024xf32, #tpu.memory_space<vmem>>
    %dma_wait3A_412 = tpu.memref_slice %arg4[%add3A_300] : memref<524288xf32, #tpu.memory_space<hbm>> -> memref<1024xf32, #tpu.memory_space<hbm>>
    %dma_wait3A_413 = tpu.memref_slice %arg4[%add3A_300] : memref<524288xf32, #tpu.memory_space<hbm>> -> memref<1024xf32, #tpu.memory_space<hbm>>
    %dma_wait3A_414 = arith.constant 14336 : i32
    %dma_wait3A_415 = tpu.memref_slice %arg7[%dma_wait3A_414] : memref<16384xf32, #tpu.memory_space<vmem>> -> memref<1024xf32, #tpu.memory_space<vmem>>
    tpu.wait_dma2 semaphore(%arg8 : memref<!tpu.dma_semaphore, #tpu.memory_space<semaphore_mem>>) src(%dma_wait3A_415 : memref<1024xf32, #tpu.memory_space<vmem>>) dst(%dma_wait3A_413 : memref<1024xf32, #tpu.memory_space<hbm>>)
    %dma_wait3A_416 = arith.constant 15360 : i32
    %dma_wait3A_417 = tpu.memref_slice %arg7[%dma_wait3A_416] : memref<16384xf32, #tpu.memory_space<vmem>> -> memref<1024xf32, #tpu.memory_space<vmem>>
    %dma_wait3A_418 = tpu.memref_slice %arg4[%add3A_320] : memref<524288xf32, #tpu.memory_space<hbm>> -> memref<1024xf32, #tpu.memory_space<hbm>>
    %dma_wait3A_419 = tpu.memref_slice %arg4[%add3A_320] : memref<524288xf32, #tpu.memory_space<hbm>> -> memref<1024xf32, #tpu.memory_space<hbm>>
    %dma_wait3A_420 = arith.constant 15360 : i32
    %dma_wait3A_421 = tpu.memref_slice %arg7[%dma_wait3A_420] : memref<16384xf32, #tpu.memory_space<vmem>> -> memref<1024xf32, #tpu.memory_space<vmem>>
    tpu.wait_dma2 semaphore(%arg8 : memref<!tpu.dma_semaphore, #tpu.memory_space<semaphore_mem>>) src(%dma_wait3A_421 : memref<1024xf32, #tpu.memory_space<vmem>>) dst(%dma_wait3A_419 : memref<1024xf32, #tpu.memory_space<hbm>>)
    return
  }
}

module attributes {stable_mosaic.version = 14 : i64} {
  func.func @_fused_step(%arg0: i32, %arg1: memref<16x4096xf32, #tpu.memory_space<vmem>>, %arg2: memref<16x128xf32, #tpu.memory_space<vmem>>, %arg3: memref<4096x128xf32, #tpu.memory_space<vmem>>, %arg4: memref<4096x256xf32, #tpu.memory_space<vmem>>, %arg5: memref<4096x128xf32, #tpu.memory_space<vmem>>, %arg6: memref<128x128xbf16, #tpu.memory_space<vmem>>, %arg7: memref<128x128xf32, #tpu.memory_space<vmem>>, %arg8: memref<256x128xbf16, #tpu.memory_space<vmem>>, %arg9: memref<1x128xf32, #tpu.memory_space<vmem>>, %arg10: memref<128x384xbf16, #tpu.memory_space<vmem>>, %arg11: memref<128x384xbf16, #tpu.memory_space<vmem>>, %arg12: memref<1x384xf32, #tpu.memory_space<vmem>>, %arg13: memref<1x384xf32, #tpu.memory_space<vmem>>, %arg14: memref<4096x128xf32, #tpu.memory_space<vmem>>) attributes {dimension_semantics = [#tpu.dimension_semantics<parallel>], iteration_bounds = array<i64: 8>, scalar_prefetch = 0 : i64, scratch_operands = 0 : i64, tpu.core_type = #tpu.core_type<tc>, window_params = [{transform_indices = @transform_0, window_bounds = array<i64: 16, 4096>}, {pipeline_mode = #tpu.pipeline_mode<synchronous>, transform_indices = @transform_1, window_bounds = array<i64: 16, 128>}, {transform_indices = @transform_2, window_bounds = array<i64: 4096, 128>}, {transform_indices = @transform_3, window_bounds = array<i64: 4096, 256>}, {transform_indices = @transform_4, window_bounds = array<i64: 4096, 128>}, {pipeline_mode = #tpu.pipeline_mode<synchronous>, transform_indices = @transform_5, window_bounds = array<i64: 128, 128>}, {pipeline_mode = #tpu.pipeline_mode<synchronous>, transform_indices = @transform_6, window_bounds = array<i64: 128, 128>}, {pipeline_mode = #tpu.pipeline_mode<synchronous>, transform_indices = @transform_7, window_bounds = array<i64: 256, 128>}, {pipeline_mode = #tpu.pipeline_mode<synchronous>, transform_indices = @transform_8, window_bounds = array<i64: 1, 128>}, {pipeline_mode = #tpu.pipeline_mode<synchronous>, transform_indices = @transform_9, window_bounds = array<i64: 128, 384>}, {pipeline_mode = #tpu.pipeline_mode<synchronous>, transform_indices = @transform_10, window_bounds = array<i64: 128, 384>}, {pipeline_mode = #tpu.pipeline_mode<synchronous>, transform_indices = @transform_11, window_bounds = array<i64: 1, 384>}, {pipeline_mode = #tpu.pipeline_mode<synchronous>, transform_indices = @transform_12, window_bounds = array<i64: 1, 384>}, {transform_indices = @transform_13, window_bounds = array<i64: 4096, 128>}]} {
    %get3A = arith.constant 0 : index
    %get3A_0 = arith.constant 0 : index
    %get3A_1 = vector.load %arg1[%get3A, %get3A_0] : memref<16x4096xf32, #tpu.memory_space<vmem>>, vector<16x4096xf32>
    %get3A_2 = arith.constant 0 : index
    %get3A_3 = arith.constant 0 : index
    %get3A_4 = vector.load %arg2[%get3A_2, %get3A_3] : memref<16x128xf32, #tpu.memory_space<vmem>>, vector<16x128xf32>
    %get3A_5 = arith.constant 0 : index
    %get3A_6 = arith.constant 0 : index
    %get3A_7 = vector.load %arg7[%get3A_5, %get3A_6] : memref<128x128xf32, #tpu.memory_space<vmem>>, vector<128x128xf32>
    %dot_general3A = arith.constant dense<0.000000e+00> : vector<16x128xf32>
    %dot_general3A_8 = tpu.matmul %get3A_4, %get3A_7, %dot_general3A {dimension_numbers = #tpu.dot_dimension_numbers<[1], [0], [0], [1], [0, 0, 1, 1], [], []>, transpose_lhs_hint = false} : vector<16x128xf32>, vector<128x128xf32>, vector<16x128xf32> -> vector<16x128xf32>
    %get3A_9 = arith.constant 0 : index
    %get3A_10 = arith.constant 0 : index
    %get3A_11 = vector.load %arg9[%get3A_9, %get3A_10] : memref<1x128xf32, #tpu.memory_space<vmem>>, vector<1x128xf32>
    %add3A = vector.broadcast %get3A_11 : vector<1x128xf32> to vector<16x128xf32>
    %add3A_12 = arith.addf %dot_general3A_8, %add3A : vector<16x128xf32>
    %get3A_13 = arith.constant 0 : index
    %get3A_14 = arith.constant 0 : index
    %get3A_15 = vector.load %arg3[%get3A_13, %get3A_14] : memref<4096x128xf32, #tpu.memory_space<vmem>>, vector<4096x128xf32>
    %convert_element_type3A = arith.truncf %get3A_15 : vector<4096x128xf32> to vector<4096x128xbf16>
    %get3A_16 = arith.constant 0 : index
    %get3A_17 = arith.constant 0 : index
    %get3A_18 = vector.load %arg6[%get3A_16, %get3A_17] : memref<128x128xbf16, #tpu.memory_space<vmem>>, vector<128x128xbf16>
    %dot_general3A_19 = arith.constant dense<0.000000e+00> : vector<4096x128xf32>
    %dot_general3A_20 = tpu.matmul %convert_element_type3A, %get3A_18, %dot_general3A_19 {dimension_numbers = #tpu.dot_dimension_numbers<[1], [0], [0], [1], [0, 0, 1, 1], [], []>, transpose_lhs_hint = false} : vector<4096x128xbf16>, vector<128x128xbf16>, vector<4096x128xf32> -> vector<4096x128xf32>
    %get3A_21 = arith.constant 0 : index
    %get3A_22 = arith.constant 0 : index
    %get3A_23 = vector.load %arg4[%get3A_21, %get3A_22] : memref<4096x256xf32, #tpu.memory_space<vmem>>, vector<4096x256xf32>
    %convert_element_type3A_24 = arith.truncf %get3A_23 : vector<4096x256xf32> to vector<4096x256xbf16>
    %get3A_25 = arith.constant 0 : index
    %get3A_26 = arith.constant 0 : index
    %get3A_27 = vector.load %arg8[%get3A_25, %get3A_26] : memref<256x128xbf16, #tpu.memory_space<vmem>>, vector<256x128xbf16>
    %dot_general3A_28 = arith.constant dense<0.000000e+00> : vector<4096x128xf32>
    %dot_general3A_29 = tpu.matmul %convert_element_type3A_24, %get3A_27, %dot_general3A_28 {dimension_numbers = #tpu.dot_dimension_numbers<[1], [0], [0], [1], [0, 0, 1, 1], [], []>, transpose_lhs_hint = false} : vector<4096x256xbf16>, vector<256x128xbf16>, vector<4096x128xf32> -> vector<4096x128xf32>
    %add3A_30 = arith.addf %dot_general3A_20, %dot_general3A_29 : vector<4096x128xf32>
    %dot_general3A_31 = arith.constant dense<0.000000e+00> : vector<4096x128xf32>
    %dot_general3A_32 = tpu.matmul %get3A_1, %add3A_12, %dot_general3A_31 {dimension_numbers = #tpu.dot_dimension_numbers<[0], [0], [1], [1], [0, 1, 1, 1], [], []>, transpose_lhs_hint = false} : vector<16x4096xf32>, vector<16x128xf32>, vector<4096x128xf32> -> vector<4096x128xf32>
    %add3A_33 = arith.addf %add3A_30, %dot_general3A_32 : vector<4096x128xf32>
    %max3A = arith.constant 0.000000e+00 : f32
    %max3A_34 = vector.broadcast %max3A : f32 to vector<4096x128xf32>
    %max3A_35 = arith.maximumf %add3A_33, %max3A_34 : vector<4096x128xf32>
    %get3A_36 = arith.constant 0 : index
    %get3A_37 = arith.constant 0 : index
    %get3A_38 = vector.load %arg5[%get3A_36, %get3A_37] : memref<4096x128xf32, #tpu.memory_space<vmem>>, vector<4096x128xf32>
    %convert_element_type3A_39 = arith.truncf %max3A_35 : vector<4096x128xf32> to vector<4096x128xbf16>
    %get3A_40 = arith.constant 0 : index
    %get3A_41 = arith.constant 0 : index
    %get3A_42 = vector.load %arg10[%get3A_40, %get3A_41] : memref<128x384xbf16, #tpu.memory_space<vmem>>, vector<128x384xbf16>
    %dot_general3A_43 = arith.constant dense<0.000000e+00> : vector<4096x384xf32>
    %dot_general3A_44 = tpu.matmul %convert_element_type3A_39, %get3A_42, %dot_general3A_43 {dimension_numbers = #tpu.dot_dimension_numbers<[1], [0], [0], [1], [0, 0, 1, 1], [], []>, transpose_lhs_hint = false} : vector<4096x128xbf16>, vector<128x384xbf16>, vector<4096x384xf32> -> vector<4096x384xf32>
    %get3A_45 = arith.constant 0 : index
    %get3A_46 = arith.constant 0 : index
    %get3A_47 = vector.load %arg12[%get3A_45, %get3A_46] : memref<1x384xf32, #tpu.memory_space<vmem>>, vector<1x384xf32>
    %add3A_48 = vector.broadcast %get3A_47 : vector<1x384xf32> to vector<4096x384xf32>
    %add3A_49 = arith.addf %dot_general3A_44, %add3A_48 : vector<4096x384xf32>
    %convert_element_type3A_50 = arith.truncf %get3A_38 : vector<4096x128xf32> to vector<4096x128xbf16>
    %get3A_51 = arith.constant 0 : index
    %get3A_52 = arith.constant 0 : index
    %get3A_53 = vector.load %arg11[%get3A_51, %get3A_52] : memref<128x384xbf16, #tpu.memory_space<vmem>>, vector<128x384xbf16>
    %dot_general3A_54 = arith.constant dense<0.000000e+00> : vector<4096x384xf32>
    %dot_general3A_55 = tpu.matmul %convert_element_type3A_50, %get3A_53, %dot_general3A_54 {dimension_numbers = #tpu.dot_dimension_numbers<[1], [0], [0], [1], [0, 0, 1, 1], [], []>, transpose_lhs_hint = false} : vector<4096x128xbf16>, vector<128x384xbf16>, vector<4096x384xf32> -> vector<4096x384xf32>
    %get3A_56 = arith.constant 0 : index
    %get3A_57 = arith.constant 0 : index
    %get3A_58 = vector.load %arg13[%get3A_56, %get3A_57] : memref<1x384xf32, #tpu.memory_space<vmem>>, vector<1x384xf32>
    %add3A_59 = vector.broadcast %get3A_58 : vector<1x384xf32> to vector<4096x384xf32>
    %add3A_60 = arith.addf %dot_general3A_55, %add3A_59 : vector<4096x384xf32>
    %slice3A = vector.extract_strided_slice %add3A_49 {offsets = [0, 0], sizes = [4096, 128], strides = [1, 1]} : vector<4096x384xf32> to vector<4096x128xf32>
    %slice3A_61 = vector.extract_strided_slice %add3A_60 {offsets = [0, 0], sizes = [4096, 128], strides = [1, 1]} : vector<4096x384xf32> to vector<4096x128xf32>
    %add3A_62 = arith.addf %slice3A, %slice3A_61 : vector<4096x128xf32>
    %logistic3A = arith.negf %add3A_62 : vector<4096x128xf32>
    %logistic3A_63 = math.exp %logistic3A : vector<4096x128xf32>
    %logistic3A_64 = arith.constant 1.000000e+00 : f32
    %logistic3A_65 = vector.broadcast %logistic3A_64 : f32 to vector<4096x128xf32>
    %logistic3A_66 = arith.addf %logistic3A_65, %logistic3A_63 : vector<4096x128xf32>
    %logistic3A_67 = arith.divf %logistic3A_65, %logistic3A_66 : vector<4096x128xf32>
    %slice3A_68 = vector.extract_strided_slice %add3A_49 {offsets = [0, 128], sizes = [4096, 128], strides = [1, 1]} : vector<4096x384xf32> to vector<4096x128xf32>
    %slice3A_69 = vector.extract_strided_slice %add3A_60 {offsets = [0, 128], sizes = [4096, 128], strides = [1, 1]} : vector<4096x384xf32> to vector<4096x128xf32>
    %add3A_70 = arith.addf %slice3A_68, %slice3A_69 : vector<4096x128xf32>
    %logistic3A_71 = arith.negf %add3A_70 : vector<4096x128xf32>
    %logistic3A_72 = math.exp %logistic3A_71 : vector<4096x128xf32>
    %logistic3A_73 = arith.constant 1.000000e+00 : f32
    %logistic3A_74 = vector.broadcast %logistic3A_73 : f32 to vector<4096x128xf32>
    %logistic3A_75 = arith.addf %logistic3A_74, %logistic3A_72 : vector<4096x128xf32>
    %logistic3A_76 = arith.divf %logistic3A_74, %logistic3A_75 : vector<4096x128xf32>
    %slice3A_77 = vector.extract_strided_slice %add3A_49 {offsets = [0, 256], sizes = [4096, 128], strides = [1, 1]} : vector<4096x384xf32> to vector<4096x128xf32>
    %slice3A_78 = vector.extract_strided_slice %add3A_60 {offsets = [0, 256], sizes = [4096, 128], strides = [1, 1]} : vector<4096x384xf32> to vector<4096x128xf32>
    %mul3A = arith.mulf %logistic3A_67, %slice3A_78 : vector<4096x128xf32>
    %add3A_79 = arith.addf %slice3A_77, %mul3A : vector<4096x128xf32>
    %tanh3A = math.tanh %add3A_79 : vector<4096x128xf32>
    %sub3A = arith.constant 1.000000e+00 : f32
    %sub3A_80 = vector.broadcast %sub3A : f32 to vector<4096x128xf32>
    %sub3A_81 = arith.subf %sub3A_80, %logistic3A_76 : vector<4096x128xf32>
    %mul3A_82 = arith.mulf %sub3A_81, %tanh3A : vector<4096x128xf32>
    %mul3A_83 = arith.mulf %logistic3A_76, %get3A_38 : vector<4096x128xf32>
    %add3A_84 = arith.addf %mul3A_82, %mul3A_83 : vector<4096x128xf32>
    %swap3A = arith.constant 0 : index
    %swap3A_85 = arith.constant 0 : index
    %swap3A_86 = vector.load %arg14[%swap3A, %swap3A_85] : memref<4096x128xf32, #tpu.memory_space<vmem>>, vector<4096x128xf32>
    tpu.vector_store %arg14[%swap3A, %swap3A_85], %add3A_84 {strides = array<i32>} : memref<4096x128xf32, #tpu.memory_space<vmem>>, vector<4096x128xf32>,
    return
  }
  func.func @transform_0(%arg0: i32) -> (i32, i32) {
    %c0_i32 = arith.constant 0 : i32
    %c0_i32_0 = arith.constant 0 : i32
    return %c0_i32, %arg0 : i32, i32
  }
  func.func @transform_1(%arg0: i32) -> (i32, i32) {
    %c0_i32 = arith.constant 0 : i32
    %c0_i32_0 = arith.constant 0 : i32
    %c0_i32_1 = arith.constant 0 : i32
    return %c0_i32, %c0_i32_0 : i32, i32
  }
  func.func @transform_2(%arg0: i32) -> (i32, i32) {
    %c0_i32 = arith.constant 0 : i32
    %c0_i32_0 = arith.constant 0 : i32
    return %arg0, %c0_i32 : i32, i32
  }
  func.func @transform_3(%arg0: i32) -> (i32, i32) {
    %c0_i32 = arith.constant 0 : i32
    %c0_i32_0 = arith.constant 0 : i32
    return %arg0, %c0_i32 : i32, i32
  }
  func.func @transform_4(%arg0: i32) -> (i32, i32) {
    %c0_i32 = arith.constant 0 : i32
    %c0_i32_0 = arith.constant 0 : i32
    return %arg0, %c0_i32 : i32, i32
  }
  func.func @transform_5(%arg0: i32) -> (i32, i32) {
    %c0_i32 = arith.constant 0 : i32
    %c0_i32_0 = arith.constant 0 : i32
    %c0_i32_1 = arith.constant 0 : i32
    return %c0_i32, %c0_i32_0 : i32, i32
  }
  func.func @transform_6(%arg0: i32) -> (i32, i32) {
    %c0_i32 = arith.constant 0 : i32
    %c0_i32_0 = arith.constant 0 : i32
    %c0_i32_1 = arith.constant 0 : i32
    return %c0_i32, %c0_i32_0 : i32, i32
  }
  func.func @transform_7(%arg0: i32) -> (i32, i32) {
    %c0_i32 = arith.constant 0 : i32
    %c0_i32_0 = arith.constant 0 : i32
    %c0_i32_1 = arith.constant 0 : i32
    return %c0_i32, %c0_i32_0 : i32, i32
  }
  func.func @transform_8(%arg0: i32) -> (i32, i32) {
    %c0_i32 = arith.constant 0 : i32
    %c0_i32_0 = arith.constant 0 : i32
    %c0_i32_1 = arith.constant 0 : i32
    return %c0_i32, %c0_i32_0 : i32, i32
  }
  func.func @transform_9(%arg0: i32) -> (i32, i32) {
    %c0_i32 = arith.constant 0 : i32
    %c0_i32_0 = arith.constant 0 : i32
    %c0_i32_1 = arith.constant 0 : i32
    return %c0_i32, %c0_i32_0 : i32, i32
  }
  func.func @transform_10(%arg0: i32) -> (i32, i32) {
    %c0_i32 = arith.constant 0 : i32
    %c0_i32_0 = arith.constant 0 : i32
    %c0_i32_1 = arith.constant 0 : i32
    return %c0_i32, %c0_i32_0 : i32, i32
  }
  func.func @transform_11(%arg0: i32) -> (i32, i32) {
    %c0_i32 = arith.constant 0 : i32
    %c0_i32_0 = arith.constant 0 : i32
    %c0_i32_1 = arith.constant 0 : i32
    return %c0_i32, %c0_i32_0 : i32, i32
  }
  func.func @transform_12(%arg0: i32) -> (i32, i32) {
    %c0_i32 = arith.constant 0 : i32
    %c0_i32_0 = arith.constant 0 : i32
    %c0_i32_1 = arith.constant 0 : i32
    return %c0_i32, %c0_i32_0 : i32, i32
  }
  func.func @transform_13(%arg0: i32) -> (i32, i32) {
    %c0_i32 = arith.constant 0 : i32
    %c0_i32_0 = arith.constant 0 : i32
    return %arg0, %c0_i32 : i32, i32
  }
}

</mosaic_0001>

<sc_bundles>
// kernel: kernel.4.cloned.1.call-start
scs
__scs_entry_jumppad:
0x0: {  	(pc) =	sbr.rel $0x88, $3  }
0x1: {  	(tag) =	ssettag $0x0;
	lr =	simm.s32 $0x1  }
0x2: {  	[smem:$0x3F95] =	sst lr;
	_ =	strace $0xD0000000  }
0x3: {  	_ = 	snop  }
0x4: {  	_ = 	snop  }
0x5: {  	_ = 	snop  }
0x6: {  	_ = 	snop  }
0x7: {  	_ = 	snop  }
__scs_overlays_trampoline_lowered:
0x8: {  	[smem:$0x3FA4] =	sst s0  }
0x9: {  	[smem:$0x3FA5] =	sst s1  }
0xa: {  	[smem:$0x3FA6] =	sst s2  }
0xb: {  	[smem:$0x3FA7] =	sst s3  }
0xc: {  	[smem:$0x3FA8] =	sst s4  }
0xd: {  	[smem:$0x3FA9] =	sst s5  }
0xe: {  	[smem:$0x3FAA] =	sst s6  }
0xf: {  	[smem:$0x3FAB] =	sst s7  }
0x10: {  	[smem:$0x3FAC] =	sst s8  }
0x11: {  	[smem:$0x3FAD] =	sst s9;
	s0 =	simm.s32 @!p0 $0x0  }
0x12: {  	s1 =	sld [smem:$0x3F93];
	s0 =	simm.s32 @p0 $0x1  }
0x13: {  	[smem:$0x3FAE] =	sst s0;
	s0 =	simm.s32 @!p1 $0x0  }
0x14: {  	s2 =	sld [smem:$0x3F92];
	s0 =	simm.s32 @p1 $0x1  }
0x15: {  	[smem:$0x3FAF] =	sst s0;
	s0 =	simm.s32 @!p2 $0x0  }
0x16: {  	s3 =	sld [smem:$0x3FDB];
	s0 =	simm.s32 @p2 $0x1  }
0x17: {  	s4 =	simm.s32 $0x1BF5;
	[smem:$0x3FB1] =	sst s0  }
0x18: {  	s0 =	sld [smem:$0x3F94];
	_ =	swait.ge [sflag:s4], $0x0  }
0x19: {  	s7 =	sld [smem:$0x3F95]  }
0x1a: {  	s8 =	sadd.s32 $0xFFFFE003, lr  }
0x1b: {  	s9 =	sadd.s32 $0xFFFFFEF7, lr;
	s5 =	simm.s32 $0xFFFFFFFF;
	p2 =	slt.u32 s8, $0xFFFFF086  }
0x1c: {  	p1 =	slt.u32 s9, $0xF7A;
	s5 =	simm.s32 @!p2 $0x0  }
0x1d: {  	s5 =	simm.s32 @p1 $0x1;
	p0 =	seq.s32 s7, s2  }
0x1e: {  	s7 =	smul.u32 @!p0 $0xF7A, s2;
	p2 =	seq.s32 @!p0 s5, $0x0  }
0x1f: {  	s9 =	smul.u32 $0xF7A, s1;
	s8 =	simm.s32 @!p0 $0x1BF5;
	p2 =	por !p2, p0  }
0x20: {  	[sflag:s8] =	ssyncset.s32 @!p0 $0xFFFFF086;
	s6 =	sadd.s32 @!p0 s3, s7;
	s7 =	simm.s32 @!p0 $0x108  }
0x21: {  	s3 =	sadd.s32 s3, s9;
	s6 =	sadd.s32 @!p0 $0x88, s6;
	s7 =	simm.s32 @p2 $0x1082  }
0x22: {  	[simem:s7], [sflag:s8] =	dma.local @!p0 [hbm:s6], $0xF7A  }
0x23: {  	s9 =	sor.u32 $0xD0000000, s2;
	s6 =	simm.s32 $0x108;
	_ =	swait.ge @!p0 [sflag:s8], $0x0  }
0x24: {  	s3 =	sadd.s32 $0x88, s3;
	s6 =	simm.s32 @!p1 $0x1082;
	[sflag:s4] =	ssyncset.s32 $0xFFFFF086  }
0x25: {  	[simem:s6], [sflag:s4] =	dma.local [hbm:s3], $0xF7A  }
0x26: {  	[smem:$0x3F95] =	sst s1;
	(tag) =	ssettag s2;
	_ =	strace s9  }
0x27: {  	s1 =	sld [smem:$0x3FA5]  }
0x28: {  	s2 =	sld [smem:$0x3FA6]  }
0x29: {  	s4 =	sld [smem:$0x3FA8]  }
0x2a: {  	p0 =	seq.s32 s5, $0x0;
	s5 =	sld [smem:$0x3FA9]  }
0x2b: {  	s6 =	sld [smem:$0x3FAA]  }
0x2c: {  	s7 =	sld [smem:$0x3FAB]  }
0x2d: {  	s3 =	simm.s32 $0x108;
	s8 =	sld [smem:$0x3FAC]  }
0x2e: {  	s3 =	simm.s32 @!p0 $0x1082;
	s9 =	sld [smem:$0x3FAD]  }
0x2f: {  	lr =	sadd.s32 s0, s3;
	s0 =	sld [smem:$0x3FA4]  }
0x30: {  	s3 =	sld [smem:$0x3FA7]  }
0x31: {  	[smem:$0x3FB0] =	sst s10  }
0x32: {  	s10 =	sld [smem:$0x3FAE];
	_ =	sdelay $0x3  }
0x33: {  	p0 =	seq.s32 s10, $0x1;
	s10 =	sld [smem:$0x3FB0];
	_ =	sdelay $0x3  }
0x34: {  	[smem:$0x3FB0] =	sst s10  }
0x35: {  	s10 =	sld [smem:$0x3FAF];
	_ =	sdelay $0x3  }
0x36: {  	p1 =	seq.s32 s10, $0x1;
	s10 =	sld [smem:$0x3FB0];
	_ =	sdelay $0x3  }
0x37: {  	[smem:$0x3FB0] =	sst s10  }
0x38: {  	s10 =	sld [smem:$0x3FB1]  }
0x39: {  	_ = 	snop;
	(pc) =	sbr.ind lr, $3  }
0x3a: {  	_ = 	snop  }
0x3b: {  	_ = 	snop  }
0x3c: {  	p2 =	seq.s32 s10, $0x1;
	s10 =	sld [smem:$0x3FB0]  }
0x3d: {  	_ =	shalt  }
0x3e: {  	_ =	shalt  }
0x3f: {  	_ =	shalt  }
0x40: {  	_ =	shalt  }
0x41: {  	_ =	shalt  }
0x42: {  	_ =	shalt  }
0x43: {  	_ =	shalt  }
0x44: {  	_ =	shalt  }
0x45: {  	_ =	shalt  }
0x46: {  	_ =	shalt  }
0x47: {  	_ =	shalt  }
0x48: {  	_ =	shalt  }
0x49: {  	_ =	shalt  }
0x4a: {  	_ =	shalt  }
0x4b: {  	_ =	shalt  }
0x4c: {  	_ =	shalt  }
0x4d: {  	_ =	shalt  }
0x4e: {  	_ =	shalt  }
0x4f: {  	_ =	shalt  }
0x50: {  	_ =	shalt  }
0x51: {  	_ =	shalt  }
0x52: {  	_ =	shalt  }
0x53: {  	_ =	shalt  }
0x54: {  	_ =	shalt  }
0x55: {  	_ =	shalt  }
0x56: {  	_ =	shalt  }
0x57: {  	_ =	shalt  }
0x58: {  	_ =	shalt  }
0x59: {  	_ =	shalt  }
0x5a: {  	_ =	shalt  }
0x5b: {  	_ =	shalt  }
0x5c: {  	_ =	shalt  }
0x5d: {  	_ =	shalt  }
0x5e: {  	_ =	shalt  }
0x5f: {  	_ =	shalt  }
0x60: {  	_ =	shalt  }
0x61: {  	_ =	shalt  }
0x62: {  	_ =	shalt  }
0x63: {  	_ =	shalt  }
0x64: {  	_ =	shalt  }
0x65: {  	_ =	shalt  }
0x66: {  	_ =	shalt  }
0x67: {  	_ =	shalt  }
0x68: {  	_ =	shalt  }
0x69: {  	_ =	shalt  }
0x6a: {  	_ =	shalt  }
0x6b: {  	_ =	shalt  }
0x6c: {  	_ =	shalt  }
0x6d: {  	_ =	shalt  }
0x6e: {  	_ =	shalt  }
0x6f: {  	_ =	shalt  }
0x70: {  	_ =	shalt  }
0x71: {  	_ =	shalt  }
0x72: {  	_ =	shalt  }
0x73: {  	_ =	shalt  }
0x74: {  	_ =	shalt  }
0x75: {  	_ =	shalt  }
0x76: {  	_ =	shalt  }
0x77: {  	_ =	shalt  }
0x78: {  	_ =	shalt  }
0x79: {  	_ =	shalt  }
0x7a: {  	_ =	shalt  }
0x7b: {  	_ =	shalt  }
0x7c: {  	_ =	shalt  }
0x7d: {  	_ =	shalt  }
0x7e: {  	_ =	shalt  }
0x7f: {  	_ =	shalt  }
0x80: {  	_ =	shalt  }
0x81: {  	_ =	shalt  }
0x82: {  	_ =	shalt  }
0x83: {  	_ =	shalt  }
0x84: {  	_ =	shalt  }
0x85: {  	_ =	shalt  }
0x86: {  	_ =	shalt  }
0x87: {  	_ =	shalt  }
.Lfunc_end0:
.L_simem_size_0:
called_computation_lowered:
.L_overlay_start_0:
0x88: {  	s2 =	sld [smem:$0x3FD9]  }
0x89: {  	s3 =	sld [smem:$0x3FFE];
	_ =	sdelay $0x1  }
0x8a: {  	s1 =	srdreg.scid  }
0x8b: {  	s0 =	sand.u32 $0x1, s1  }
0x8c: {  	s18 =	sshll.u32 s0, $0xA;
	s2 =	sadd.s32 s3, s2  }
0x8d: {  	s2 =	sadd.s32 s2, s18  }
0x8e: {  	[smem:$0x3FBC] =	sst s2  }
0x8f: {  	_ = 	snop  }
0x90: {  	s2 =	sld [smem:$0x3FC6]  }
0x91: {  	s19 =	sld [smem:$0x3FC5]  }
0x92: {  	s4 =	sld [smem:$0x3FD0];
	(tm) =	ssettm $0x1  }
0x93: {  	s5 =	sld [smem:$0x3FFB];
	_ =	sdelay $0x3  }
0x94: {  	_ =	strace s5  }
0x95: {  	s5 =	sld [smem:$0x3FFC];
	_ =	sdelay $0x3  }
0x96: {  	_ =	strace s5  }
0x97: {  	s5 =	sld [smem:$0x3FFD];
	_ =	sdelay $0x3  }
0x98: {  	_ =	strace s5  }
0x99: {  	_ =	strace $0x8FFFFFFF  }
0x9a: {  	s20 =	sld [smem:$0x3FDB];
	_ =	sdelay $0x1  }
0x9b: {  	s6 =	simm.s32 $_scs_section_size  }
0x9c: {  	s7 =	simm.s32 $_size__tile_overlayer_lowered;
	s8 =	simm.s32 $_tile_overlayer_lowered  }
0x9d: {  	s23 =	simm.s32 $0x1BFF;
	s22 =	sshll.u32 s8, $0x1;
	s5 =	sadd.s32 s6, s20  }
0x9e: {  	s9 =	simm.s32 $0x0;
	s21 =	sshll.u32 s7, $0x1;
	s7 =	sadd.s32 s22, s5  }
0x9f: {  	[timem:s9], [sflag:s23] =	dma.local [hbm:s7], s21  }
0xa0: {  	_ =	swait.ge [sflag:s23], s21  }
0xa1: {  	s6 =	ssub.s32 $0x0, s21;
	[sflag:s23] =	ssyncset.done $0x0  }
0xa2: {  	[sflag:s23] =	ssyncadd.s32 s6;
	_ =	sdelay $0x1  }
0xa3: {  	s24 =	simm.s32 $0x1B8B  }
0xa4: {  	_ =	swait.ge [sflag:s24], $0x1  }
0xa5: {  	[sflag:s24] =	ssyncset.done $0x0  }
0xa6: {  	s25 =	simm.s32 $0x1B8E;
	[sflag:s24] =	ssyncadd.s32 $0xFFFFFFFF  }
0xa7: {  	s26 =	simm.s32 $execute0_lowered;
	[smem:$0x3FD2] =	sst s25  }
0xa8: {  	s6 =	sshll.u32 s26, $0x1;
	_ =	strace $0x80000046;
	[dreg:$0x1] =	wrdreg $0xFFFFFFFF  }
0xa9: {  	s28 =	simm.s32 $_size_execute0_lowered;
	s5 =	sadd.s32 s5, s6;
	[dreg:$0x0] =	wrdreg $0x0  }
0xaa: {  	s6 =	sshll.u32 s28, $0x1;
	[dreg:$0x2] =	wrdreg s5  }
0xab: {  	[dreg:$0x3] =	wrdreg s6  }
0xac: {  	[dreg:$0x4] =	wrdreg $0xC0  }
0xad: {  	_ =	task [dreg:s9], $0x5FFFF  }
0xae: {  	[dreg:$0x1] =	wrdreg $0xFFFFFFFF  }
0xaf: {  	[dreg:$0x0] =	wrdreg $0x60  }
0xb0: {  	[dreg:$0x2] =	wrdreg s2  }
0xb1: {  	[dreg:$0x3] =	wrdreg s19  }
0xb2: {  	[dreg:$0x4] =	wrdreg s4  }
0xb3: {  	[dreg:$0x5] =	wrdreg $0x9  }
0xb4: {  	_ =	task.clear_ibuf [dreg:s9], $0x6FFFF;
	_ =	strace $0x90000046  }
0xb5: {  	s29 =	simm.s32 $0x9;
	_ =	strace $0x80000048  }
0xb6: {  	_ =	swait.ge [sflag:s29], $0x1  }
0xb7: {  	[sflag:s29] =	ssyncadd.s32 $0xFFFFFFFF  }
0xb8: {  	_ =	strace $0x90000048  }
0xb9: {  	_ =	sfence  }
0xba: {  	s30 =	sld [smem:$0x0];
	_ =	sdelay $0x2  }
0xbb: {  	s31 =	sshll.u32 s1, $0xD;
	s1 =	sshrl.u32 s1, $0x2  }
0xbc: {  	s3 =	sand.u32 $0x4000, s31;
	s1 =	sadd.s32 s1, s30  }
0xbd: {  	s0 =	sor.u32 s3, s0;
	s1 =	sshll.u32 s1, $0x11  }
0xbe: {  	s0 =	sor.u32 s1, s0  }
0xbf: {  	s0 =	sadd.s32 $0x8F2B, s0  }
0xc0: {  	[sflag:s0] =	ssyncadd.remote.s32 $0x1  }
0xc1: {  	_ =	sfence.sel $0xFFFF  }
0xc2: {  	[dreg:$0x0] =	wrdreg $0xFFFFFFFF;
	(pc) =	sbr.abs _section_cstart, $3  }
0xc3: {  	[dreg:$0x1] =	wrdreg $0xFFFFFFFF  }
0xc4: {  	_ =	task.clear_ibuf [dreg:s9], $0x2FFFF;
	_ =	strace $0x9FFFFFFF  }
0xc5: {  	(tm) =	ssettm $0x7FFFFFFF  }
tec
execute0_lowered:
.L_overlay_start_1:
0x0: {  	(tag) =	ssettag $0x1  }
0x1: {  	s0 =	srdreg.scid  }
0x2: {  	s1 =	rddreg [dreg:$0x2];
	s2 =	stileid.u32;
	s4 =	simm.s32 $0x0  }
0x3: {  	s23 =	simm.s32 $0x2;
	s24 =	simm.s32 $0x2900;
	s25 =	simm.s32 $0x2D00  }
0x4: {  	s28 =	simm.s32 $0x3500;
	s29 =	simm.s32 $0x3900;
	s30 =	simm.s32 $0x3D00  }
0x5: {  	s31 =	simm.s32 $0x1;
	s0 =	sand.u32 $0x1, s0;
	s2 =	sshll.u32 s2, $0xB  }
0x6: {  	[smem:$0x7FF] =	sst s4;
	s3 =	sshll.u32 s0, $0xA;
	s0 =	ssub.s32 $0x2, s0  }
0x7: {  	_ =	strace $0x80000047;
	s2 =	sor.u32 s3, s2;
	s26 =	sshrl.u32 s0, $0x1  }
0x8: {  	s5 =	sshrl.u32 s2, $0x3;
	s0 =	ssub.s32 s0, s26;
	s26 =	simm.s32 $0x3100  }
0x9: {  	s6 =	sadd.s32 s1, s5;
	s22 =	smax.u32 s0, $0x1;
	s0 =	simm.s32 $0x0  }
0xa: {  	s7 =	sadd.s32 $0x1000, s6;
	s8 =	sadd.s32 $0x2000, s6;
	s9 =	sadd.s32 $0x3000, s6  }
0xb: {  	s10 =	sadd.s32 $0x4000, s6;
	s11 =	sadd.s32 $0x5000, s6;
	s12 =	sadd.s32 $0x6000, s6  }
0xc: {  	s13 =	sadd.s32 $0x7000, s6;
	s14 =	sadd.s32 $0x8000, s6;
	s15 =	sadd.s32 $0x9000, s6  }
0xd: {  	s16 =	sadd.s32 $0xA000, s6;
	s17 =	sadd.s32 $0xB000, s6;
	s18 =	sadd.s32 $0xC000, s6  }
0xe: {  	v0 =	vlaneseq.u32;
	v1 =	vimm.f32 $0.0e+00;
	s19 =	sadd.s32 $0xD000, s6;
	s20 =	sadd.s32 $0xE000, s6;
	s21 =	sadd.s32 $0xF000, s6  }
.LBB2_1:
0xf: {  	s1 =	rddreg [dreg:$0x0]  }
0x10: {  	[tilespmem:s4], [sflag:$0x2] =	stream.linear.gather [hbm4b:s1+s4], $0x80, $0x38;
	[tilespmem:$0x4100] =	vst v63  }
0x11: {  	_ =	swait.ge [sflag:s23], $0x80  }
0x12: {  	[sflag:s23] =	ssyncset.done $0x0  }
0x13: {  	[sflag:s23] =	ssyncadd.s32 $0xFFFFFF80  }
0x14: {  	s3 =	simm.s32 $0x80;
	s5 =	rddreg [dreg:$0x1]  }
0x15: {  	[tilespmem:s3], [sflag:$0x2] =	stream.linear.gather [hbm4b:s5+s4], $0x80, $0x38;
	[tilespmem:$0x4100] =	vst v63  }
0x16: {  	_ =	swait.ge [sflag:s23], $0x80  }
0x17: {  	[sflag:s23] =	ssyncset.done $0x0  }
0x18: {  	[sflag:s23] =	ssyncadd.s32 $0xFFFFFF80  }
0x19: {  	v2 =	vld [tilespmem:$0x0]  }
0x1a: {  	v3 =	vld [tilespmem:$0x80];
	_ =	sdelay $0x4  }
0x1b: {  	v4 =	vbroadcast v2, $0x0;
	v5 =	vbroadcast v3, $0x0  }
0x1c: {  	v6 =	vor.u32 s2, v0  }
0x1d: {  	vm0 =	vle.s32 v4, v6;
	vm1 =	vlt.s32 v6, v5  }
0x1e: {  	vm0 =	vmand vm0, vm1  }
0x1f: {  	s1 =	simm.s32 $0x40;
	s3 =	simm.s32 $0x0;
	s5 =	smov.u32 s2;
	v6 =	vsel vm0, $0x3F800000, v1  }
.LBB2_2:
0x20: {  	p0 =	sne.s32 s1, $0xFC0  }
0x21: {  	[tilespmem:s3+$0x100] =	vst v6;
	s5 =	sadd.s32 $0x10, s5;
	s3 =	smov.u32 s1;
	s1 =	sadd.s32 $0x40, s1  }
.Ltmp0:
0x22: {  	(pc) =	sbr.rel @p0 .LBB2_2-.Ltmp0, $4  }
0x23: {  	v6 =	vor.u32 s5, v0  }
0x24: {  	vm0 =	vle.s32 v4, v6;
	vm1 =	vlt.s32 v6, v5  }
0x25: {  	vm0 =	vmand vm0, vm1  }
0x26: {  	s3 =	sshra.s32 s3, $0x2;
	v6 =	vsel vm0, $0x3F800000, v1  }
0x27: {  	v4 =	vbroadcast v2, $0x1;
	v5 =	vbroadcast v3, $0x1;
	s1 =	sadd.s32 $0x0, s2  }
0x28: {  	[tilespmem:s3+$0x100] =	vst v6;
	v6 =	vor.u32 s1, v0  }
0x29: {  	s3 =	simm.s32 $0x0;
	s5 =	simm.s32 $0x100;
	vm0 =	vle.s32 v4, v6;
	vm1 =	vlt.s32 v6, v5  }
0x2a: {  	[hbm4b:s6+s3] =	stream.linear.scatter [tilespmem:s5], [sflag:$0x1], $0x400, $0x38;
	vm0 =	vmand vm0, vm1;
	[tilespmem:$0x4100] =	vst v63  }
0x2b: {  	s1 =	simm.s32 $0x10;
	s3 =	sand.u32 $0x3F0, s3;
	v6 =	vsel vm0, $0x3F800000, v1  }
.LBB2_4:
0x2c: {  	p0 =	sne.s32 s1, $0x3F0;
	[tilespmem:s3+$0x500] =	vst v6;
	s3 =	smov.u32 s1;
	s1 =	sadd.s32 $0x10, s1  }
.Ltmp1:
0x2d: {  	s5 =	sadd.s32 s3, s2;
	(pc) =	sbr.rel @p0 .LBB2_4-.Ltmp1, $4  }
0x2e: {  	v6 =	vor.u32 s5, v0  }
0x2f: {  	vm0 =	vle.s32 v4, v6;
	vm1 =	vlt.s32 v6, v5  }
0x30: {  	vm0 =	vmand vm0, vm1  }
0x31: {  	s3 =	sand.u32 $0x3F0, s3;
	v6 =	vsel vm0, $0x3F800000, v1  }
0x32: {  	v4 =	vbroadcast v2, $0x2;
	v5 =	vbroadcast v3, $0x2;
	s1 =	sadd.s32 $0x0, s2  }
0x33: {  	[tilespmem:s3+$0x500] =	vst v6;
	v6 =	vor.u32 s1, v0  }
0x34: {  	s3 =	simm.s32 $0x0;
	s5 =	simm.s32 $0x500;
	vm0 =	vle.s32 v4, v6;
	vm1 =	vlt.s32 v6, v5  }
0x35: {  	[hbm4b:s7+s3] =	stream.linear.scatter [tilespmem:s5], [sflag:$0x1], $0x400, $0x38;
	vm0 =	vmand vm0, vm1;
	[tilespmem:$0x4100] =	vst v63  }
0x36: {  	s1 =	simm.s32 $0x10;
	s3 =	sand.u32 $0x3F0, s3;
	v6 =	vsel vm0, $0x3F800000, v1  }
.LBB2_6:
0x37: {  	p0 =	sne.s32 s1, $0x3F0;
	[tilespmem:s3+$0x900] =	vst v6;
	s3 =	smov.u32 s1;
	s1 =	sadd.s32 $0x10, s1  }
.Ltmp2:
0x38: {  	s5 =	sadd.s32 s3, s2;
	(pc) =	sbr.rel @p0 .LBB2_6-.Ltmp2, $4  }
0x39: {  	v6 =	vor.u32 s5, v0  }
0x3a: {  	vm0 =	vle.s32 v4, v6;
	vm1 =	vlt.s32 v6, v5  }
0x3b: {  	vm0 =	vmand vm0, vm1  }
0x3c: {  	s3 =	sand.u32 $0x3F0, s3;
	v6 =	vsel vm0, $0x3F800000, v1  }
0x3d: {  	v4 =	vbroadcast v2, $0x3;
	v5 =	vbroadcast v3, $0x3;
	s1 =	sadd.s32 $0x0, s2  }
0x3e: {  	[tilespmem:s3+$0x900] =	vst v6;
	v6 =	vor.u32 s1, v0  }
0x3f: {  	s3 =	simm.s32 $0x0;
	s5 =	simm.s32 $0x900;
	vm0 =	vle.s32 v4, v6;
	vm1 =	vlt.s32 v6, v5  }
0x40: {  	[hbm4b:s8+s3] =	stream.linear.scatter [tilespmem:s5], [sflag:$0x1], $0x400, $0x38;
	vm0 =	vmand vm0, vm1;
	[tilespmem:$0x4100] =	vst v63  }
0x41: {  	s1 =	simm.s32 $0x10;
	s3 =	sand.u32 $0x3F0, s3;
	v6 =	vsel vm0, $0x3F800000, v1  }
.LBB2_8:
0x42: {  	p0 =	sne.s32 s1, $0x3F0;
	[tilespmem:s3+$0xD00] =	vst v6;
	s3 =	smov.u32 s1;
	s1 =	sadd.s32 $0x10, s1  }
.Ltmp3:
0x43: {  	s5 =	sadd.s32 s3, s2;
	(pc) =	sbr.rel @p0 .LBB2_8-.Ltmp3, $4  }
0x44: {  	v6 =	vor.u32 s5, v0  }
0x45: {  	vm0 =	vle.s32 v4, v6;
	vm1 =	vlt.s32 v6, v5  }
0x46: {  	vm0 =	vmand vm0, vm1  }
0x47: {  	s3 =	sand.u32 $0x3F0, s3;
	v6 =	vsel vm0, $0x3F800000, v1  }
0x48: {  	v4 =	vbroadcast v2, $0x4;
	v5 =	vbroadcast v3, $0x4;
	s1 =	sadd.s32 $0x0, s2  }
0x49: {  	[tilespmem:s3+$0xD00] =	vst v6;
	v6 =	vor.u32 s1, v0  }
0x4a: {  	s3 =	simm.s32 $0x0;
	s5 =	simm.s32 $0xD00;
	vm0 =	vle.s32 v4, v6;
	vm1 =	vlt.s32 v6, v5  }
0x4b: {  	[hbm4b:s9+s3] =	stream.linear.scatter [tilespmem:s5], [sflag:$0x1], $0x400, $0x38;
	vm0 =	vmand vm0, vm1;
	[tilespmem:$0x4100] =	vst v63  }
0x4c: {  	s1 =	simm.s32 $0x10;
	s3 =	sand.u32 $0x3F0, s3;
	v6 =	vsel vm0, $0x3F800000, v1  }
.LBB2_10:
0x4d: {  	p0 =	sne.s32 s1, $0x3F0;
	[tilespmem:s3+$0x1100] =	vst v6;
	s3 =	smov.u32 s1;
	s1 =	sadd.s32 $0x10, s1  }
.Ltmp4:
0x4e: {  	s5 =	sadd.s32 s3, s2;
	(pc) =	sbr.rel @p0 .LBB2_10-.Ltmp4, $4  }
0x4f: {  	v6 =	vor.u32 s5, v0  }
0x50: {  	vm0 =	vle.s32 v4, v6;
	vm1 =	vlt.s32 v6, v5  }
0x51: {  	vm0 =	vmand vm0, vm1  }
0x52: {  	s3 =	sand.u32 $0x3F0, s3;
	v6 =	vsel vm0, $0x3F800000, v1  }
0x53: {  	v4 =	vbroadcast v2, $0x5;
	v5 =	vbroadcast v3, $0x5;
	s1 =	sadd.s32 $0x0, s2  }
0x54: {  	[tilespmem:s3+$0x1100] =	vst v6;
	v6 =	vor.u32 s1, v0  }
0x55: {  	s3 =	simm.s32 $0x0;
	s5 =	simm.s32 $0x1100;
	vm0 =	vle.s32 v4, v6;
	vm1 =	vlt.s32 v6, v5  }
0x56: {  	[hbm4b:s10+s3] =	stream.linear.scatter [tilespmem:s5], [sflag:$0x1], $0x400, $0x38;
	vm0 =	vmand vm0, vm1;
	[tilespmem:$0x4100] =	vst v63  }
0x57: {  	s1 =	simm.s32 $0x10;
	s3 =	sand.u32 $0x3F0, s3;
	v6 =	vsel vm0, $0x3F800000, v1  }
.LBB2_12:
0x58: {  	p0 =	sne.s32 s1, $0x3F0;
	[tilespmem:s3+$0x1500] =	vst v6;
	s3 =	smov.u32 s1;
	s1 =	sadd.s32 $0x10, s1  }
.Ltmp5:
0x59: {  	s5 =	sadd.s32 s3, s2;
	(pc) =	sbr.rel @p0 .LBB2_12-.Ltmp5, $4  }
0x5a: {  	v6 =	vor.u32 s5, v0  }
0x5b: {  	vm0 =	vle.s32 v4, v6;
	vm1 =	vlt.s32 v6, v5  }
0x5c: {  	vm0 =	vmand vm0, vm1  }
0x5d: {  	s3 =	sand.u32 $0x3F0, s3;
	v6 =	vsel vm0, $0x3F800000, v1  }
0x5e: {  	v4 =	vbroadcast v2, $0x6;
	v5 =	vbroadcast v3, $0x6;
	s1 =	sadd.s32 $0x0, s2  }
0x5f: {  	[tilespmem:s3+$0x1500] =	vst v6;
	v6 =	vor.u32 s1, v0  }
0x60: {  	s3 =	simm.s32 $0x0;
	s5 =	simm.s32 $0x1500;
	vm0 =	vle.s32 v4, v6;
	vm1 =	vlt.s32 v6, v5  }
0x61: {  	[hbm4b:s11+s3] =	stream.linear.scatter [tilespmem:s5], [sflag:$0x1], $0x400, $0x38;
	vm0 =	vmand vm0, vm1;
	[tilespmem:$0x4100] =	vst v63  }
0x62: {  	s1 =	simm.s32 $0x10;
	s3 =	sand.u32 $0x3F0, s3;
	v6 =	vsel vm0, $0x3F800000, v1  }
.LBB2_14:
0x63: {  	p0 =	sne.s32 s1, $0x3F0;
	[tilespmem:s3+$0x1900] =	vst v6;
	s3 =	smov.u32 s1;
	s1 =	sadd.s32 $0x10, s1  }
.Ltmp6:
0x64: {  	s5 =	sadd.s32 s3, s2;
	(pc) =	sbr.rel @p0 .LBB2_14-.Ltmp6, $4  }
0x65: {  	v6 =	vor.u32 s5, v0  }
0x66: {  	vm0 =	vle.s32 v4, v6;
	vm1 =	vlt.s32 v6, v5  }
0x67: {  	vm0 =	vmand vm0, vm1  }
0x68: {  	s3 =	sand.u32 $0x3F0, s3;
	v6 =	vsel vm0, $0x3F800000, v1  }
0x69: {  	v4 =	vbroadcast v2, $0x7;
	v5 =	vbroadcast v3, $0x7;
	s1 =	sadd.s32 $0x0, s2  }
0x6a: {  	[tilespmem:s3+$0x1900] =	vst v6;
	v6 =	vor.u32 s1, v0  }
0x6b: {  	s3 =	simm.s32 $0x0;
	s5 =	simm.s32 $0x1900;
	vm0 =	vle.s32 v4, v6;
	vm1 =	vlt.s32 v6, v5  }
0x6c: {  	[hbm4b:s12+s3] =	stream.linear.scatter [tilespmem:s5], [sflag:$0x1], $0x400, $0x38;
	vm0 =	vmand vm0, vm1;
	[tilespmem:$0x4100] =	vst v63  }
0x6d: {  	s1 =	simm.s32 $0x10;
	s3 =	sand.u32 $0x3F0, s3;
	v6 =	vsel vm0, $0x3F800000, v1  }
.LBB2_16:
0x6e: {  	p0 =	sne.s32 s1, $0x3F0;
	[tilespmem:s3+$0x1D00] =	vst v6;
	s3 =	smov.u32 s1;
	s1 =	sadd.s32 $0x10, s1  }
.Ltmp7:
0x6f: {  	s5 =	sadd.s32 s3, s2;
	(pc) =	sbr.rel @p0 .LBB2_16-.Ltmp7, $4  }
0x70: {  	v6 =	vor.u32 s5, v0  }
0x71: {  	vm0 =	vle.s32 v4, v6;
	vm1 =	vlt.s32 v6, v5  }
0x72: {  	vm0 =	vmand vm0, vm1  }
0x73: {  	s3 =	sand.u32 $0x3F0, s3;
	v6 =	vsel vm0, $0x3F800000, v1  }
0x74: {  	v4 =	vbroadcast v2, $0x8;
	v5 =	vbroadcast v3, $0x8;
	s1 =	sadd.s32 $0x0, s2  }
0x75: {  	[tilespmem:s3+$0x1D00] =	vst v6;
	v6 =	vor.u32 s1, v0  }
0x76: {  	s3 =	simm.s32 $0x0;
	s5 =	simm.s32 $0x1D00;
	vm0 =	vle.s32 v4, v6;
	vm1 =	vlt.s32 v6, v5  }
0x77: {  	[hbm4b:s13+s3] =	stream.linear.scatter [tilespmem:s5], [sflag:$0x1], $0x400, $0x38;
	vm0 =	vmand vm0, vm1;
	[tilespmem:$0x4100] =	vst v63  }
0x78: {  	s1 =	simm.s32 $0x10;
	s3 =	sand.u32 $0x3F0, s3;
	v6 =	vsel vm0, $0x3F800000, v1  }
.LBB2_18:
0x79: {  	p0 =	sne.s32 s1, $0x3F0;
	[tilespmem:s3+$0x2100] =	vst v6;
	s3 =	smov.u32 s1;
	s1 =	sadd.s32 $0x10, s1  }
.Ltmp8:
0x7a: {  	s5 =	sadd.s32 s3, s2;
	(pc) =	sbr.rel @p0 .LBB2_18-.Ltmp8, $4  }
0x7b: {  	v6 =	vor.u32 s5, v0  }
0x7c: {  	vm0 =	vle.s32 v4, v6;
	vm1 =	vlt.s32 v6, v5  }
0x7d: {  	vm0 =	vmand vm0, vm1  }
0x7e: {  	s3 =	sand.u32 $0x3F0, s3;
	v6 =	vsel vm0, $0x3F800000, v1  }
0x7f: {  	v4 =	vbroadcast v2, $0x9;
	v5 =	vbroadcast v3, $0x9;
	s1 =	sadd.s32 $0x0, s2  }
0x80: {  	[tilespmem:s3+$0x2100] =	vst v6;
	v6 =	vor.u32 s1, v0  }
0x81: {  	s3 =	simm.s32 $0x0;
	s5 =	simm.s32 $0x2100;
	vm0 =	vle.s32 v4, v6;
	vm1 =	vlt.s32 v6, v5  }
0x82: {  	[hbm4b:s14+s3] =	stream.linear.scatter [tilespmem:s5], [sflag:$0x1], $0x400, $0x38;
	vm0 =	vmand vm0, vm1;
	[tilespmem:$0x4100] =	vst v63  }
0x83: {  	s1 =	simm.s32 $0x10;
	s3 =	sand.u32 $0x3F0, s3;
	v6 =	vsel vm0, $0x3F800000, v1  }
.LBB2_20:
0x84: {  	p0 =	sne.s32 s1, $0x3F0;
	[tilespmem:s3+$0x2500] =	vst v6;
	s3 =	smov.u32 s1;
	s1 =	sadd.s32 $0x10, s1  }
.Ltmp9:
0x85: {  	s5 =	sadd.s32 s3, s2;
	(pc) =	sbr.rel @p0 .LBB2_20-.Ltmp9, $4  }
0x86: {  	v6 =	vor.u32 s5, v0  }
0x87: {  	vm0 =	vle.s32 v4, v6;
	vm1 =	vlt.s32 v6, v5  }
0x88: {  	vm0 =	vmand vm0, vm1  }
0x89: {  	s3 =	sand.u32 $0x3F0, s3;
	v6 =	vsel vm0, $0x3F800000, v1  }
0x8a: {  	v4 =	vbroadcast v2, $0xA;
	v5 =	vbroadcast v3, $0xA;
	s1 =	sadd.s32 $0x0, s2  }
0x8b: {  	[tilespmem:s3+$0x2500] =	vst v6;
	v6 =	vor.u32 s1, v0  }
0x8c: {  	s3 =	simm.s32 $0x0;
	s5 =	simm.s32 $0x2500;
	vm0 =	vle.s32 v4, v6;
	vm1 =	vlt.s32 v6, v5  }
0x8d: {  	[hbm4b:s15+s3] =	stream.linear.scatter [tilespmem:s5], [sflag:$0x1], $0x400, $0x38;
	vm0 =	vmand vm0, vm1;
	[tilespmem:$0x4100] =	vst v63  }
0x8e: {  	s1 =	simm.s32 $0x10;
	s3 =	sand.u32 $0x3F0, s3;
	v6 =	vsel vm0, $0x3F800000, v1  }
.LBB2_22:
0x8f: {  	p0 =	sne.s32 s1, $0x3F0;
	[tilespmem:s3+$0x2900] =	vst v6;
	s3 =	smov.u32 s1;
	s1 =	sadd.s32 $0x10, s1  }
.Ltmp10:
0x90: {  	s5 =	sadd.s32 s3, s2;
	(pc) =	sbr.rel @p0 .LBB2_22-.Ltmp10, $4  }
0x91: {  	v6 =	vor.u32 s5, v0  }
0x92: {  	vm0 =	vle.s32 v4, v6;
	vm1 =	vlt.s32 v6, v5  }
0x93: {  	vm0 =	vmand vm0, vm1  }
0x94: {  	s3 =	sand.u32 $0x3F0, s3;
	v6 =	vsel vm0, $0x3F800000, v1  }
0x95: {  	v4 =	vbroadcast v2, $0xB;
	v5 =	vbroadcast v3, $0xB;
	s1 =	sadd.s32 $0x0, s2  }
0x96: {  	[tilespmem:s3+$0x2900] =	vst v6;
	v6 =	vor.u32 s1, v0  }
0x97: {  	s5 =	simm.s32 $0x0;
	vm0 =	vle.s32 v4, v6;
	vm1 =	vlt.s32 v6, v5  }
0x98: {  	[hbm4b:s16+s5] =	stream.linear.scatter [tilespmem:s24], [sflag:$0x1], $0x400, $0x38;
	vm0 =	vmand vm0, vm1;
	[tilespmem:$0x4100] =	vst v63  }
0x99: {  	s1 =	simm.s32 $0x10;
	s3 =	sand.u32 $0x3F0, s5;
	v6 =	vsel vm0, $0x3F800000, v1  }
.LBB2_24:
0x9a: {  	p0 =	sne.s32 s1, $0x3F0;
	[tilespmem:s3+$0x2D00] =	vst v6;
	s3 =	smov.u32 s1;
	s1 =	sadd.s32 $0x10, s1  }
.Ltmp11:
0x9b: {  	s5 =	sadd.s32 s3, s2;
	(pc) =	sbr.rel @p0 .LBB2_24-.Ltmp11, $4  }
0x9c: {  	v6 =	vor.u32 s5, v0  }
0x9d: {  	vm0 =	vle.s32 v4, v6;
	vm1 =	vlt.s32 v6, v5  }
0x9e: {  	vm0 =	vmand vm0, vm1  }
0x9f: {  	s3 =	sand.u32 $0x3F0, s3;
	v6 =	vsel vm0, $0x3F800000, v1  }
0xa0: {  	v4 =	vbroadcast v2, $0xC;
	v5 =	vbroadcast v3, $0xC;
	s1 =	sadd.s32 $0x0, s2  }
0xa1: {  	[tilespmem:s3+$0x2D00] =	vst v6;
	v6 =	vor.u32 s1, v0  }
0xa2: {  	s5 =	simm.s32 $0x0;
	vm0 =	vle.s32 v4, v6;
	vm1 =	vlt.s32 v6, v5  }
0xa3: {  	[hbm4b:s17+s5] =	stream.linear.scatter [tilespmem:s25], [sflag:$0x1], $0x400, $0x38;
	vm0 =	vmand vm0, vm1;
	[tilespmem:$0x4100] =	vst v63  }
0xa4: {  	s1 =	simm.s32 $0x10;
	s3 =	sand.u32 $0x3F0, s5;
	v6 =	vsel vm0, $0x3F800000, v1  }
.LBB2_26:
0xa5: {  	p0 =	sne.s32 s1, $0x3F0;
	[tilespmem:s3+$0x3100] =	vst v6;
	s3 =	smov.u32 s1;
	s1 =	sadd.s32 $0x10, s1  }
.Ltmp12:
0xa6: {  	s5 =	sadd.s32 s3, s2;
	(pc) =	sbr.rel @p0 .LBB2_26-.Ltmp12, $4  }
0xa7: {  	v6 =	vor.u32 s5, v0  }
0xa8: {  	vm0 =	vle.s32 v4, v6;
	vm1 =	vlt.s32 v6, v5  }
0xa9: {  	vm0 =	vmand vm0, vm1  }
0xaa: {  	s3 =	sand.u32 $0x3F0, s3;
	v6 =	vsel vm0, $0x3F800000, v1  }
0xab: {  	v4 =	vbroadcast v2, $0xD;
	v5 =	vbroadcast v3, $0xD;
	s1 =	sadd.s32 $0x0, s2  }
0xac: {  	[tilespmem:s3+$0x3100] =	vst v6;
	v6 =	vor.u32 s1, v0  }
0xad: {  	s5 =	simm.s32 $0x0;
	vm0 =	vle.s32 v4, v6;
	vm1 =	vlt.s32 v6, v5  }
0xae: {  	[hbm4b:s18+s5] =	stream.linear.scatter [tilespmem:s26], [sflag:$0x1], $0x400, $0x38;
	vm0 =	vmand vm0, vm1;
	[tilespmem:$0x4100] =	vst v63  }
0xaf: {  	s1 =	simm.s32 $0x10;
	s3 =	sand.u32 $0x3F0, s5;
	v6 =	vsel vm0, $0x3F800000, v1  }
.LBB2_28:
0xb0: {  	p0 =	sne.s32 s1, $0x3F0;
	[tilespmem:s3+$0x3500] =	vst v6;
	s3 =	smov.u32 s1;
	s1 =	sadd.s32 $0x10, s1  }
.Ltmp13:
0xb1: {  	s5 =	sadd.s32 s3, s2;
	(pc) =	sbr.rel @p0 .LBB2_28-.Ltmp13, $4  }
0xb2: {  	v6 =	vor.u32 s5, v0  }
0xb3: {  	vm0 =	vle.s32 v4, v6;
	vm1 =	vlt.s32 v6, v5  }
0xb4: {  	vm0 =	vmand vm0, vm1  }
0xb5: {  	s3 =	sand.u32 $0x3F0, s3;
	v6 =	vsel vm0, $0x3F800000, v1  }
0xb6: {  	v4 =	vbroadcast v2, $0xE;
	v5 =	vbroadcast v3, $0xE;
	s1 =	sadd.s32 $0x0, s2  }
0xb7: {  	[tilespmem:s3+$0x3500] =	vst v6;
	v6 =	vor.u32 s1, v0  }
0xb8: {  	s5 =	simm.s32 $0x0;
	vm0 =	vle.s32 v4, v6;
	vm1 =	vlt.s32 v6, v5  }
0xb9: {  	[hbm4b:s19+s5] =	stream.linear.scatter [tilespmem:s28], [sflag:$0x1], $0x400, $0x38;
	vm0 =	vmand vm0, vm1;
	[tilespmem:$0x4100] =	vst v63  }
0xba: {  	s1 =	simm.s32 $0x10;
	s3 =	sand.u32 $0x3F0, s5;
	v6 =	vsel vm0, $0x3F800000, v1  }
.LBB2_30:
0xbb: {  	p0 =	sne.s32 s1, $0x3F0;
	[tilespmem:s3+$0x3900] =	vst v6;
	s3 =	smov.u32 s1;
	s1 =	sadd.s32 $0x10, s1  }
.Ltmp14:
0xbc: {  	s5 =	sadd.s32 s3, s2;
	(pc) =	sbr.rel @p0 .LBB2_30-.Ltmp14, $4  }
0xbd: {  	v6 =	vor.u32 s5, v0  }
0xbe: {  	vm0 =	vle.s32 v4, v6;
	vm1 =	vlt.s32 v6, v5  }
0xbf: {  	vm0 =	vmand vm0, vm1  }
0xc0: {  	s3 =	sand.u32 $0x3F0, s3;
	v6 =	vsel vm0, $0x3F800000, v1  }
0xc1: {  	v2 =	vbroadcast v2, $0xF;
	v3 =	vbroadcast v3, $0xF;
	s1 =	sadd.s32 $0x0, s2  }
0xc2: {  	v4 =	vor.u32 s1, v0  }
0xc3: {  	[tilespmem:s3+$0x3900] =	vst v6;
	s5 =	simm.s32 $0x0;
	vm0 =	vle.s32 v2, v4;
	vm1 =	vlt.s32 v4, v3  }
0xc4: {  	[hbm4b:s20+s5] =	stream.linear.scatter [tilespmem:s29], [sflag:$0x1], $0x400, $0x38;
	vm0 =	vmand vm0, vm1;
	[tilespmem:$0x4100] =	vst v63  }
0xc5: {  	s1 =	simm.s32 $0x10;
	s3 =	sand.u32 $0x3F0, s5;
	v4 =	vsel vm0, $0x3F800000, v1  }
.LBB2_32:
0xc6: {  	p0 =	sne.s32 s1, $0x3F0;
	[tilespmem:s3+$0x3D00] =	vst v4;
	s3 =	smov.u32 s1;
	s1 =	sadd.s32 $0x10, s1  }
.Ltmp15:
0xc7: {  	s5 =	sadd.s32 s3, s2;
	(pc) =	sbr.rel @p0 .LBB2_32-.Ltmp15, $4  }
0xc8: {  	v4 =	vor.u32 s5, v0  }
0xc9: {  	vm0 =	vle.s32 v2, v4;
	vm1 =	vlt.s32 v4, v3  }
0xca: {  	vm0 =	vmand vm0, vm1  }
0xcb: {  	s3 =	sand.u32 $0x3F0, s3;
	v4 =	vsel vm0, $0x3F800000, v1  }
0xcc: {  	[tilespmem:s3+$0x3D00] =	vst v4  }
0xcd: {  	[hbm4b:s21+s4] =	stream.linear.scatter [tilespmem:s30], [sflag:$0x1], $0x400, $0x38;
	[tilespmem:$0x4100] =	vst v63  }
0xce: {  	_ =	swait.ge [sflag:s31], $0x400  }
0xcf: {  	[sflag:s31] =	ssyncset.done $0x0  }
0xd0: {  	[sflag:s31] =	ssyncadd.s32 $0xFFFFFC00  }
0xd1: {  	_ =	swait.ge [sflag:s31], $0x400  }
0xd2: {  	[sflag:s31] =	ssyncset.done $0x0  }
0xd3: {  	[sflag:s31] =	ssyncadd.s32 $0xFFFFFC00  }
0xd4: {  	_ =	swait.ge [sflag:s31], $0x400  }
0xd5: {  	[sflag:s31] =	ssyncset.done $0x0  }
0xd6: {  	[sflag:s31] =	ssyncadd.s32 $0xFFFFFC00  }
0xd7: {  	_ =	swait.ge [sflag:s31], $0x400  }
0xd8: {  	[sflag:s31] =	ssyncset.done $0x0  }
0xd9: {  	[sflag:s31] =	ssyncadd.s32 $0xFFFFFC00  }
0xda: {  	_ =	swait.ge [sflag:s31], $0x400  }
0xdb: {  	[sflag:s31] =	ssyncset.done $0x0  }
0xdc: {  	[sflag:s31] =	ssyncadd.s32 $0xFFFFFC00  }
0xdd: {  	_ =	swait.ge [sflag:s31], $0x400  }
0xde: {  	[sflag:s31] =	ssyncset.done $0x0  }
0xdf: {  	[sflag:s31] =	ssyncadd.s32 $0xFFFFFC00  }
0xe0: {  	_ =	swait.ge [sflag:s31], $0x400  }
0xe1: {  	[sflag:s31] =	ssyncset.done $0x0  }
0xe2: {  	[sflag:s31] =	ssyncadd.s32 $0xFFFFFC00  }
0xe3: {  	_ =	swait.ge [sflag:s31], $0x400  }
0xe4: {  	[sflag:s31] =	ssyncset.done $0x0  }
0xe5: {  	[sflag:s31] =	ssyncadd.s32 $0xFFFFFC00  }
0xe6: {  	_ =	swait.ge [sflag:s31], $0x400  }
0xe7: {  	[sflag:s31] =	ssyncset.done $0x0  }
0xe8: {  	[sflag:s31] =	ssyncadd.s32 $0xFFFFFC00  }
0xe9: {  	_ =	swait.ge [sflag:s31], $0x400  }
0xea: {  	[sflag:s31] =	ssyncset.done $0x0  }
0xeb: {  	[sflag:s31] =	ssyncadd.s32 $0xFFFFFC00  }
0xec: {  	_ =	swait.ge [sflag:s31], $0x400  }
0xed: {  	[sflag:s31] =	ssyncset.done $0x0  }
0xee: {  	[sflag:s31] =	ssyncadd.s32 $0xFFFFFC00  }
0xef: {  	_ =	swait.ge [sflag:s31], $0x400  }
0xf0: {  	[sflag:s31] =	ssyncset.done $0x0  }
0xf1: {  	[sflag:s31] =	ssyncadd.s32 $0xFFFFFC00  }
0xf2: {  	_ =	swait.ge [sflag:s31], $0x400  }
0xf3: {  	[sflag:s31] =	ssyncset.done $0x0  }
0xf4: {  	[sflag:s31] =	ssyncadd.s32 $0xFFFFFC00  }
0xf5: {  	_ =	swait.ge [sflag:s31], $0x400  }
0xf6: {  	[sflag:s31] =	ssyncset.done $0x0  }
0xf7: {  	s0 =	sadd.s32 $0x1, s0;
	[sflag:s31] =	ssyncadd.s32 $0xFFFFFC00  }
0xf8: {  	p0 =	sne.s32 s0, s22;
	_ =	swait.ge [sflag:s31], $0x400  }
.Ltmp16:
0xf9: {  	[sflag:s31] =	ssyncset.done $0x0;
	(pc) =	sbr.rel @p0 .LBB2_1-.Ltmp16, $4  }
0xfa: {  	[sflag:s31] =	ssyncadd.s32 $0xFFFFFC00  }
0xfb: {  	_ =	swait.ge [sflag:s31], $0x400  }
0xfc: {  	[sflag:s31] =	ssyncset.done $0x0  }
0xfd: {  	[sflag:s31] =	ssyncadd.s32 $0xFFFFFC00  }
0xfe: {  	_ =	sfence.sel $0x180000  }
0xff: {  	[bflag:$0x0] =	sbarrier.arrive $0xFFFF  }
0x100: {  	_ =	strace $0x90000047  }
0x101: {  	s0 =	stileid.u32;
	[bflag:$0x2] =	sbarrier.arrive $0xFFFF  }
0x102: {  	p0 =	sne.s32 s0, $0x0;
	s0 =	rddreg [dreg:$0x3]  }
0x103: {  	s0 =	sadd.s32 @!p0 $0x100000, s0  }
0x104: {  	[sflag:s0] =	ssyncadd.tile.s32 @!p0 $0x1;
	_ =	shalt  }
.Lfunc_end2:
_tile_overlayer_lowered:
.L_overlay_start_2:
0x105: {  	(tag) =	ssettag $0x2  }
0x106: {  	s0 =	rddreg [dreg:$0x0];
	s2 =	stileid.u32  }
0x107: {  	s1 =	rddreg [dreg:$0x1];
	p0 =	sne.s32 s2, $0x0  }
0x108: {  	s3 =	rddreg [dreg:$0x2];
	[bflag:$0x3] =	sbarrier.arrive $0xFFFF;
	s2 =	simm.s32 @!p0 $0x1C02  }
0x109: {  	[timem:s3], [sflag:s2] =	dma.local @!p0 [hbm:s0], s1  }
0x10a: {  	s0 =	simm.s32 @!p0 $0x2  }
0x10b: {  	_ =	swait.ge @!p0 [sflag:s0], s1  }
0x10c: {  	s1 =	ssub.s32 @!p0 $0x0, s1;
	[sflag:s0] =	ssyncset.done @!p0 $0x0  }
0x10d: {  	[sflag:s0] =	ssyncadd.s32 @!p0 s1  }
0x10e: {  	[bflag:$0x3] =	sbarrier.arrive $0xFFFF  }
0x10f: {  	_ =	shalt  }

</sc_bundles>
